<compile_context>
chip_gen: v7x
topology: tpu7x:2x2x1
jax: 0.10.2.dev20260603
libtpu: 0.0.44.dev20260713+nightly
codegen_flags: <defaults>
</compile_context>

<pallas_src>
import functools

import jax
import jax.numpy as jnp
from jax import lax
from jax.experimental import pallas as pl
from jax.experimental.pallas import tpu as pltpu
from jax.experimental.pallas import tpu_sc as plsc

D = 32
NW = 32
C = 512


@functools.lru_cache(maxsize=None)
def _make_kernel(total: int):
    per_w = total // NW
    nch = per_w // C
    nit = nch // 2
    mesh = plsc.VectorSubcoreMesh(core_axis_name="c", subcore_axis_name="s")

    @functools.partial(
        pl.kernel,
        mesh=mesh,
        compiler_params=pltpu.CompilerParams(use_tc_tiling_on_sc=False),
        out_type=jax.ShapeDtypeStruct((total, D), jnp.float32),
        scratch_types=[
            pltpu.VMEM((nch, C), jnp.int32),
            pltpu.VMEM((C, D), jnp.float32),
            pltpu.VMEM((C, D), jnp.float32),
            pltpu.SemaphoreType.DMA,
            pltpu.SemaphoreType.DMA,
            pltpu.SemaphoreType.DMA,
            pltpu.SemaphoreType.DMA,
        ],
    )
    def k(ids_hbm, w_hbm, o_hbm,
          idx_v, b0, b1, sem_g0, sem_g1, sem_w0, sem_w1):
        wid = lax.axis_index("s") * 2 + lax.axis_index("c")
        pltpu.sync_copy(ids_hbm.at[wid], idx_v)
        base = wid * per_w

        def drain_write(buf, sem):
            pltpu.make_async_copy(buf, o_hbm.at[pl.ds(0, C)], sem).wait()

        def body(jj, carry):
            c0 = 2 * jj
            c1 = c0 + 1

            @pl.when(jj > 0)
            def _():
                drain_write(b0, sem_w0)
            g0 = pltpu.async_copy(w_hbm.at[idx_v.at[c0]], b0, sem_g0)

            @pl.when(jj > 0)
            def _():
                drain_write(b1, sem_w1)
            g1 = pltpu.async_copy(w_hbm.at[idx_v.at[c1]], b1, sem_g1)

            g0.wait()
            pltpu.async_copy(b0, o_hbm.at[pl.ds(base + c0 * C, C)], sem_w0)
            g1.wait()
            pltpu.async_copy(b1, o_hbm.at[pl.ds(base + c1 * C, C)], sem_w1)
            return carry

        lax.fori_loop(0, nit, body, 0)
        drain_write(b0, sem_w0)
        drain_write(b1, sem_w1)

    return k


def kernel(input_ids, W_re, W_im):
    b, s = input_ids.shape
    total = b * s
    ids3 = input_ids.reshape(NW, total // NW // C, C)
    fn = _make_kernel(total)
    out_re = fn(ids3, W_re)
    out_im = fn(ids3, W_im)
    return (out_re.reshape(b, s, D), out_im.reshape(b, s, D))

# --- scband reference (transcript-rebuilt; emitter-appended) ---
"""Pipeline reference for scband-real-imag-embedding-17978733101534 (READ-ONLY COPY).

The authoritative reference and input builder live on the scoring server;
editing this copy changes nothing except your own understanding.
"""

import jax, jax.numpy as jnp
import numpy as np
import math

NUM_EMBEDDINGS = 1000000
EMBEDDING_DIM = 32

def setup_inputs(seed: int = 0) -> dict:
    key = jax.random.key(seed)
    k_idx, k_re, k_im = jax.random.split(key, 3)
    input_ids = jax.random.randint(k_idx, (4096, 200), 0, NUM_EMBEDDINGS, dtype=jnp.int32)
    std = 1.0 / math.sqrt(EMBEDDING_DIM)
    W_re = jax.random.normal(k_re, (NUM_EMBEDDINGS, EMBEDDING_DIM), dtype=jnp.float32) * std
    W_im = jax.random.normal(k_im, (NUM_EMBEDDINGS, EMBEDDING_DIM), dtype=jnp.float32) * std
    return {"input_ids": input_ids, "W_re": W_re, "W_im": W_im}

def reference(input_ids, W_re, W_im):
    out_re = jnp.take(W_re, input_ids, axis=0)
    out_im = jnp.take(W_im, input_ids, axis=0)
    return (out_re, out_im)

if __name__ == "__main__":
    import jax
    _d = setup_inputs()
    print(jax.jit(kernel)(*tuple(_d.values())))

</pallas_src>

<mosaic_0001>
#map = affine_map<(d0, d1) -> (0, 0, 0)>
#map1 = affine_map<(d0, d1) -> (0, 0)>
module attributes {stable_mosaic.version = 14 : i64} {
  func.func @k(%arg0: i32, %arg1: i32, %arg2: memref<32x50x512xi32, #tpu.memory_space<hbm>>, %arg3: memref<1000000x32xf32, #tpu.memory_space<hbm>>, %arg4: memref<819200x32xf32, #tpu.memory_space<hbm>>, %arg5: memref<50x512xi32, #tpu.memory_space<vmem>>, %arg6: memref<512x32xf32, #tpu.memory_space<vmem>>, %arg7: memref<512x32xf32, #tpu.memory_space<vmem>>, %arg8: memref<!tpu.dma_semaphore, #tpu.memory_space<semaphore_mem>>, %arg9: memref<!tpu.dma_semaphore, #tpu.memory_space<semaphore_mem>>, %arg10: memref<!tpu.dma_semaphore, #tpu.memory_space<semaphore_mem>>, %arg11: memref<!tpu.dma_semaphore, #tpu.memory_space<semaphore_mem>>) attributes {dimension_semantics = [#tpu.dimension_semantics<core_parallel>, #tpu.dimension_semantics<subcore_parallel>], iteration_bounds = array<i64: 2, 16>, scalar_prefetch = 0 : i64, scratch_operands = 7 : i64, tpu.core_type = #tpu.core_type<sc_vector_subcore>, window_params = [{transform_indices = #map}, {transform_indices = #map1}, {transform_indices = #map1}]} {
    %mul3A = arith.constant 2 : i32
    %mul3A_0 = arith.muli %arg1, %mul3A : i32
    %add3A = arith.addi %mul3A_0, %arg0 : i32
    "tpu.region"() ({
      %run_scoped3A = tpu.sem_alloc : memref<!tpu.dma_semaphore, #tpu.memory_space<semaphore_mem>>
      %dma_start3A = arith.constant 0 : i32
      %dma_start3A_19 = arith.constant 0 : i32
      %dma_start3A_20 = tpu.memref_slice %arg2[%add3A, %dma_start3A, %dma_start3A_19] : memref<32x50x512xi32, #tpu.memory_space<hbm>> -> memref<1x50x512xi32, #tpu.memory_space<hbm>>
      %dma_start3A_21 = tpu.memref_squeeze %dma_start3A_20 : memref<1x50x512xi32, #tpu.memory_space<hbm>> -> memref<50x512xi32, #tpu.memory_space<hbm>>
      %dma_start3A_22 = arith.constant 0 : i32
      %dma_start3A_23 = arith.constant 0 : i32
      %dma_start3A_24 = tpu.memref_slice %arg2[%add3A, %dma_start3A_22, %dma_start3A_23] : memref<32x50x512xi32, #tpu.memory_space<hbm>> -> memref<1x50x512xi32, #tpu.memory_space<hbm>>
      %dma_start3A_25 = tpu.memref_squeeze %dma_start3A_24 : memref<1x50x512xi32, #tpu.memory_space<hbm>> -> memref<50x512xi32, #tpu.memory_space<hbm>>
      tpu.enqueue_dma source(%dma_start3A_25 : memref<50x512xi32, #tpu.memory_space<hbm>>) target(%arg5 : memref<50x512xi32, #tpu.memory_space<vmem>>) target_semaphore(%run_scoped3A : memref<!tpu.dma_semaphore, #tpu.memory_space<semaphore_mem>>)
      %dma_wait3A_26 = arith.constant 0 : i32
      %dma_wait3A_27 = arith.constant 0 : i32
      %dma_wait3A_28 = tpu.memref_slice %arg2[%add3A, %dma_wait3A_26, %dma_wait3A_27] : memref<32x50x512xi32, #tpu.memory_space<hbm>> -> memref<1x50x512xi32, #tpu.memory_space<hbm>>
      %dma_wait3A_29 = tpu.memref_squeeze %dma_wait3A_28 : memref<1x50x512xi32, #tpu.memory_space<hbm>> -> memref<50x512xi32, #tpu.memory_space<hbm>>
      %dma_wait3A_30 = arith.constant 0 : i32
      %dma_wait3A_31 = arith.constant 0 : i32
      %dma_wait3A_32 = tpu.memref_slice %arg2[%add3A, %dma_wait3A_30, %dma_wait3A_31] : memref<32x50x512xi32, #tpu.memory_space<hbm>> -> memref<1x50x512xi32, #tpu.memory_space<hbm>>
      %dma_wait3A_33 = tpu.memref_squeeze %dma_wait3A_32 : memref<1x50x512xi32, #tpu.memory_space<hbm>> -> memref<50x512xi32, #tpu.memory_space<hbm>>
      tpu.wait_dma2 semaphore(%run_scoped3A : memref<!tpu.dma_semaphore, #tpu.memory_space<semaphore_mem>>) src(%dma_wait3A_33 : memref<50x512xi32, #tpu.memory_space<hbm>>) dst(%arg5 : memref<50x512xi32, #tpu.memory_space<vmem>>)
      tpu.yield
    }) : () -> ()
    %mul3A_1 = arith.constant 25600 : i32
    %mul3A_2 = arith.muli %add3A, %mul3A_1 : i32
    %scan3A = arith.constant 0 : i32
    %scan3A_3 = arith.constant 0 : i32
    %scan3A_4 = arith.constant 25 : i32
    %scan3A_5 = arith.addi %scan3A_3, %scan3A_4 : i32
    %scan3A_6 = arith.constant 1 : i32
    scf.for %scan3A_19 = %scan3A_3 to %scan3A_5 step %scan3A_6  : i32 {
      %mul3A_20 = arith.constant 2 : i32
      %mul3A_21 = arith.muli %mul3A_20, %scan3A_19 : i32
      %add3A_22 = arith.constant 1 : i32
      %add3A_23 = arith.addi %mul3A_21, %add3A_22 : i32
      %gt3A = arith.constant 0 : i32
      %gt3A_24 = arith.cmpi sgt, %scan3A_19, %gt3A : i32
      %convert_element_type3A = arith.extui %gt3A_24 : i1 to i32
      %cond3A = arith.constant 0 : i32
      %cond3A_25 = arith.cmpi ne, %convert_element_type3A, %cond3A : i32
      scf.if %cond3A_25 {
        %dma_wait3A_68 = arith.constant 0 : i32
        %dma_wait3A_69 = arith.constant 0 : i32
        %dma_wait3A_70 = tpu.memref_slice %arg4[%dma_wait3A_68, %dma_wait3A_69] : memref<819200x32xf32, #tpu.memory_space<hbm>> -> memref<512x32xf32, #tpu.memory_space<hbm>>
        %dma_wait3A_71 = arith.constant 0 : i32
        %dma_wait3A_72 = arith.constant 0 : i32
        %dma_wait3A_73 = tpu.memref_slice %arg4[%dma_wait3A_71, %dma_wait3A_72] : memref<819200x32xf32, #tpu.memory_space<hbm>> -> memref<512x32xf32, #tpu.memory_space<hbm>>
        tpu.wait_dma2 semaphore(%arg10 : memref<!tpu.dma_semaphore, #tpu.memory_space<semaphore_mem>>) src(%arg6 : memref<512x32xf32, #tpu.memory_space<vmem>>) dst(%dma_wait3A_73 : memref<512x32xf32, #tpu.memory_space<hbm>>)
      } else {
      }
      %dma_start3A = arith.constant 0 : i32
      %dma_start3A_26 = tpu.memref_slice %arg5[%mul3A_21, %dma_start3A] : memref<50x512xi32, #tpu.memory_space<vmem>> -> memref<1x512xi32, #tpu.memory_space<vmem>>
      %dma_start3A_27 = tpu.memref_squeeze %dma_start3A_26 : memref<1x512xi32, #tpu.memory_space<vmem>> -> memref<512xi32, #tpu.memory_space<vmem>>
      %dma_start3A_28 = arith.constant 0 : i32
      %dma_start3A_29 = arith.constant 0 : i32
      %dma_start3A_30 = tpu.memref_slice %arg3[%dma_start3A_28, %dma_start3A_29] : memref<1000000x32xf32, #tpu.memory_space<hbm>> -> memref<1000000x32xf32, #tpu.memory_space<hbm>>
      tpu.enqueue_indirect_dma source(%dma_start3A_30 : memref<1000000x32xf32, #tpu.memory_space<hbm>>) target(%arg6 : memref<512x32xf32, #tpu.memory_space<vmem>>) offsets(%dma_start3A_27 : memref<512xi32, #tpu.memory_space<vmem>>) semaphore(%arg8 : memref<!tpu.dma_semaphore, #tpu.memory_space<semaphore_mem>>)
      %gt3A_31 = arith.constant 0 : i32
      %gt3A_32 = arith.cmpi sgt, %scan3A_19, %gt3A_31 : i32
      %convert_element_type3A_33 = arith.extui %gt3A_32 : i1 to i32
      %cond3A_34 = arith.constant 0 : i32
      %cond3A_35 = arith.cmpi ne, %convert_element_type3A_33, %cond3A_34 : i32
      scf.if %cond3A_35 {
        %dma_wait3A_68 = arith.constant 0 : i32
        %dma_wait3A_69 = arith.constant 0 : i32
        %dma_wait3A_70 = tpu.memref_slice %arg4[%dma_wait3A_68, %dma_wait3A_69] : memref<819200x32xf32, #tpu.memory_space<hbm>> -> memref<512x32xf32, #tpu.memory_space<hbm>>
        %dma_wait3A_71 = arith.constant 0 : i32
        %dma_wait3A_72 = arith.constant 0 : i32
        %dma_wait3A_73 = tpu.memref_slice %arg4[%dma_wait3A_71, %dma_wait3A_72] : memref<819200x32xf32, #tpu.memory_space<hbm>> -> memref<512x32xf32, #tpu.memory_space<hbm>>
        tpu.wait_dma2 semaphore(%arg11 : memref<!tpu.dma_semaphore, #tpu.memory_space<semaphore_mem>>) src(%arg7 : memref<512x32xf32, #tpu.memory_space<vmem>>) dst(%dma_wait3A_73 : memref<512x32xf32, #tpu.memory_space<hbm>>)
      } else {
      }
      %dma_start3A_36 = arith.constant 0 : i32
      %dma_start3A_37 = tpu.memref_slice %arg5[%add3A_23, %dma_start3A_36] : memref<50x512xi32, #tpu.memory_space<vmem>> -> memref<1x512xi32, #tpu.memory_space<vmem>>
      %dma_start3A_38 = tpu.memref_squeeze %dma_start3A_37 : memref<1x512xi32, #tpu.memory_space<vmem>> -> memref<512xi32, #tpu.memory_space<vmem>>
      %dma_start3A_39 = arith.constant 0 : i32
      %dma_start3A_40 = arith.constant 0 : i32
      %dma_start3A_41 = tpu.memref_slice %arg3[%dma_start3A_39, %dma_start3A_40] : memref<1000000x32xf32, #tpu.memory_space<hbm>> -> memref<1000000x32xf32, #tpu.memory_space<hbm>>
      tpu.enqueue_indirect_dma source(%dma_start3A_41 : memref<1000000x32xf32, #tpu.memory_space<hbm>>) target(%arg7 : memref<512x32xf32, #tpu.memory_space<vmem>>) offsets(%dma_start3A_38 : memref<512xi32, #tpu.memory_space<vmem>>) semaphore(%arg9 : memref<!tpu.dma_semaphore, #tpu.memory_space<semaphore_mem>>)
      %dma_wait3A_42 = arith.constant 0 : i32
      %dma_wait3A_43 = tpu.memref_slice %arg5[%mul3A_21, %dma_wait3A_42] : memref<50x512xi32, #tpu.memory_space<vmem>> -> memref<1x512xi32, #tpu.memory_space<vmem>>
      %dma_wait3A_44 = tpu.memref_squeeze %dma_wait3A_43 : memref<1x512xi32, #tpu.memory_space<vmem>> -> memref<512xi32, #tpu.memory_space<vmem>>
      %dma_wait3A_45 = arith.constant 0 : i32
      %dma_wait3A_46 = arith.constant 0 : i32
      %dma_wait3A_47 = tpu.memref_slice %arg3[%dma_wait3A_45, %dma_wait3A_46] : memref<1000000x32xf32, #tpu.memory_space<hbm>> -> memref<1000000x32xf32, #tpu.memory_space<hbm>>
      tpu.wait_indirect_dma semaphore(%arg8 : memref<!tpu.dma_semaphore, #tpu.memory_space<semaphore_mem>>) src(%dma_wait3A_47 : memref<1000000x32xf32, #tpu.memory_space<hbm>>) dst(%arg6 : memref<512x32xf32, #tpu.memory_space<vmem>>)
      %mul3A_48 = arith.constant 512 : i32
      %mul3A_49 = arith.muli %mul3A_21, %mul3A_48 : i32
      %add3A_50 = arith.addi %mul3A_2, %mul3A_49 : i32
      %dma_start3A_51 = arith.constant 0 : i32
      %dma_start3A_52 = tpu.memref_slice %arg4[%add3A_50, %dma_start3A_51] : memref<819200x32xf32, #tpu.memory_space<hbm>> -> memref<512x32xf32, #tpu.memory_space<hbm>>
      %dma_start3A_53 = arith.constant 0 : i32
      %dma_start3A_54 = tpu.memref_slice %arg4[%add3A_50, %dma_start3A_53] : memref<819200x32xf32, #tpu.memory_space<hbm>> -> memref<512x32xf32, #tpu.memory_space<hbm>>
      tpu.enqueue_dma source(%arg6 : memref<512x32xf32, #tpu.memory_space<vmem>>) target(%dma_start3A_54 : memref<512x32xf32, #tpu.memory_space<hbm>>) target_semaphore(%arg10 : memref<!tpu.dma_semaphore, #tpu.memory_space<semaphore_mem>>)
      %dma_wait3A_55 = arith.constant 0 : i32
      %dma_wait3A_56 = tpu.memref_slice %arg5[%add3A_23, %dma_wait3A_55] : memref<50x512xi32, #tpu.memory_space<vmem>> -> memref<1x512xi32, #tpu.memory_space<vmem>>
      %dma_wait3A_57 = tpu.memref_squeeze %dma_wait3A_56 : memref<1x512xi32, #tpu.memory_space<vmem>> -> memref<512xi32, #tpu.memory_space<vmem>>
      %dma_wait3A_58 = arith.constant 0 : i32
      %dma_wait3A_59 = arith.constant 0 : i32
      %dma_wait3A_60 = tpu.memref_slice %arg3[%dma_wait3A_58, %dma_wait3A_59] : memref<1000000x32xf32, #tpu.memory_space<hbm>> -> memref<1000000x32xf32, #tpu.memory_space<hbm>>
      tpu.wait_indirect_dma semaphore(%arg9 : memref<!tpu.dma_semaphore, #tpu.memory_space<semaphore_mem>>) src(%dma_wait3A_60 : memref<1000000x32xf32, #tpu.memory_space<hbm>>) dst(%arg7 : memref<512x32xf32, #tpu.memory_space<vmem>>)
      %mul3A_61 = arith.constant 512 : i32
      %mul3A_62 = arith.muli %add3A_23, %mul3A_61 : i32
      %add3A_63 = arith.addi %mul3A_2, %mul3A_62 : i32
      %dma_start3A_64 = arith.constant 0 : i32
      %dma_start3A_65 = tpu.memref_slice %arg4[%add3A_63, %dma_start3A_64] : memref<819200x32xf32, #tpu.memory_space<hbm>> -> memref<512x32xf32, #tpu.memory_space<hbm>>
      %dma_start3A_66 = arith.constant 0 : i32
      %dma_start3A_67 = tpu.memref_slice %arg4[%add3A_63, %dma_start3A_66] : memref<819200x32xf32, #tpu.memory_space<hbm>> -> memref<512x32xf32, #tpu.memory_space<hbm>>
      tpu.enqueue_dma source(%arg7 : memref<512x32xf32, #tpu.memory_space<vmem>>) target(%dma_start3A_67 : memref<512x32xf32, #tpu.memory_space<hbm>>) target_semaphore(%arg11 : memref<!tpu.dma_semaphore, #tpu.memory_space<semaphore_mem>>)
    }
    %scan3A_7 = arith.constant 25 : i32
    %dma_wait3A = arith.constant 0 : i32
    %dma_wait3A_8 = arith.constant 0 : i32
    %dma_wait3A_9 = tpu.memref_slice %arg4[%dma_wait3A, %dma_wait3A_8] : memref<819200x32xf32, #tpu.memory_space<hbm>> -> memref<512x32xf32, #tpu.memory_space<hbm>>
    %dma_wait3A_10 = arith.constant 0 : i32
    %dma_wait3A_11 = arith.constant 0 : i32
    %dma_wait3A_12 = tpu.memref_slice %arg4[%dma_wait3A_10, %dma_wait3A_11] : memref<819200x32xf32, #tpu.memory_space<hbm>> -> memref<512x32xf32, #tpu.memory_space<hbm>>
    tpu.wait_dma2 semaphore(%arg10 : memref<!tpu.dma_semaphore, #tpu.memory_space<semaphore_mem>>) src(%arg6 : memref<512x32xf32, #tpu.memory_space<vmem>>) dst(%dma_wait3A_12 : memref<512x32xf32, #tpu.memory_space<hbm>>)
    %dma_wait3A_13 = arith.constant 0 : i32
    %dma_wait3A_14 = arith.constant 0 : i32
    %dma_wait3A_15 = tpu.memref_slice %arg4[%dma_wait3A_13, %dma_wait3A_14] : memref<819200x32xf32, #tpu.memory_space<hbm>> -> memref<512x32xf32, #tpu.memory_space<hbm>>
    %dma_wait3A_16 = arith.constant 0 : i32
    %dma_wait3A_17 = arith.constant 0 : i32
    %dma_wait3A_18 = tpu.memref_slice %arg4[%dma_wait3A_16, %dma_wait3A_17] : memref<819200x32xf32, #tpu.memory_space<hbm>> -> memref<512x32xf32, #tpu.memory_space<hbm>>
    tpu.wait_dma2 semaphore(%arg11 : memref<!tpu.dma_semaphore, #tpu.memory_space<semaphore_mem>>) src(%arg7 : memref<512x32xf32, #tpu.memory_space<vmem>>) dst(%dma_wait3A_18 : memref<512x32xf32, #tpu.memory_space<hbm>>)
    return
  }
}

#map = affine_map<(d0, d1) -> (0, 0, 0)>
#map1 = affine_map<(d0, d1) -> (0, 0)>
module attributes {stable_mosaic.version = 14 : i64} {
  func.func @k(%arg0: i32, %arg1: i32, %arg2: memref<32x50x512xi32, #tpu.memory_space<hbm>>, %arg3: memref<1000000x32xf32, #tpu.memory_space<hbm>>, %arg4: memref<819200x32xf32, #tpu.memory_space<hbm>>, %arg5: memref<50x512xi32, #tpu.memory_space<vmem>>, %arg6: memref<512x32xf32, #tpu.memory_space<vmem>>, %arg7: memref<512x32xf32, #tpu.memory_space<vmem>>, %arg8: memref<!tpu.dma_semaphore, #tpu.memory_space<semaphore_mem>>, %arg9: memref<!tpu.dma_semaphore, #tpu.memory_space<semaphore_mem>>, %arg10: memref<!tpu.dma_semaphore, #tpu.memory_space<semaphore_mem>>, %arg11: memref<!tpu.dma_semaphore, #tpu.memory_space<semaphore_mem>>) attributes {dimension_semantics = [#tpu.dimension_semantics<core_parallel>, #tpu.dimension_semantics<subcore_parallel>], iteration_bounds = array<i64: 2, 16>, scalar_prefetch = 0 : i64, scratch_operands = 7 : i64, tpu.core_type = #tpu.core_type<sc_vector_subcore>, window_params = [{transform_indices = #map}, {transform_indices = #map1}, {transform_indices = #map1}]} {
    %mul3A = arith.constant 2 : i32
    %mul3A_0 = arith.muli %arg1, %mul3A : i32
    %add3A = arith.addi %mul3A_0, %arg0 : i32
    "tpu.region"() ({
      %run_scoped3A = tpu.sem_alloc : memref<!tpu.dma_semaphore, #tpu.memory_space<semaphore_mem>>
      %dma_start3A = arith.constant 0 : i32
      %dma_start3A_19 = arith.constant 0 : i32
      %dma_start3A_20 = tpu.memref_slice %arg2[%add3A, %dma_start3A, %dma_start3A_19] : memref<32x50x512xi32, #tpu.memory_space<hbm>> -> memref<1x50x512xi32, #tpu.memory_space<hbm>>
      %dma_start3A_21 = tpu.memref_squeeze %dma_start3A_20 : memref<1x50x512xi32, #tpu.memory_space<hbm>> -> memref<50x512xi32, #tpu.memory_space<hbm>>
      %dma_start3A_22 = arith.constant 0 : i32
      %dma_start3A_23 = arith.constant 0 : i32
      %dma_start3A_24 = tpu.memref_slice %arg2[%add3A, %dma_start3A_22, %dma_start3A_23] : memref<32x50x512xi32, #tpu.memory_space<hbm>> -> memref<1x50x512xi32, #tpu.memory_space<hbm>>
      %dma_start3A_25 = tpu.memref_squeeze %dma_start3A_24 : memref<1x50x512xi32, #tpu.memory_space<hbm>> -> memref<50x512xi32, #tpu.memory_space<hbm>>
      tpu.enqueue_dma source(%dma_start3A_25 : memref<50x512xi32, #tpu.memory_space<hbm>>) target(%arg5 : memref<50x512xi32, #tpu.memory_space<vmem>>) target_semaphore(%run_scoped3A : memref<!tpu.dma_semaphore, #tpu.memory_space<semaphore_mem>>)
      %dma_wait3A_26 = arith.constant 0 : i32
      %dma_wait3A_27 = arith.constant 0 : i32
      %dma_wait3A_28 = tpu.memref_slice %arg2[%add3A, %dma_wait3A_26, %dma_wait3A_27] : memref<32x50x512xi32, #tpu.memory_space<hbm>> -> memref<1x50x512xi32, #tpu.memory_space<hbm>>
      %dma_wait3A_29 = tpu.memref_squeeze %dma_wait3A_28 : memref<1x50x512xi32, #tpu.memory_space<hbm>> -> memref<50x512xi32, #tpu.memory_space<hbm>>
      %dma_wait3A_30 = arith.constant 0 : i32
      %dma_wait3A_31 = arith.constant 0 : i32
      %dma_wait3A_32 = tpu.memref_slice %arg2[%add3A, %dma_wait3A_30, %dma_wait3A_31] : memref<32x50x512xi32, #tpu.memory_space<hbm>> -> memref<1x50x512xi32, #tpu.memory_space<hbm>>
      %dma_wait3A_33 = tpu.memref_squeeze %dma_wait3A_32 : memref<1x50x512xi32, #tpu.memory_space<hbm>> -> memref<50x512xi32, #tpu.memory_space<hbm>>
      tpu.wait_dma2 semaphore(%run_scoped3A : memref<!tpu.dma_semaphore, #tpu.memory_space<semaphore_mem>>) src(%dma_wait3A_33 : memref<50x512xi32, #tpu.memory_space<hbm>>) dst(%arg5 : memref<50x512xi32, #tpu.memory_space<vmem>>)
      tpu.yield
    }) : () -> ()
    %mul3A_1 = arith.constant 25600 : i32
    %mul3A_2 = arith.muli %add3A, %mul3A_1 : i32
    %scan3A = arith.constant 0 : i32
    %scan3A_3 = arith.constant 0 : i32
    %scan3A_4 = arith.constant 25 : i32
    %scan3A_5 = arith.addi %scan3A_3, %scan3A_4 : i32
    %scan3A_6 = arith.constant 1 : i32
    scf.for %scan3A_19 = %scan3A_3 to %scan3A_5 step %scan3A_6  : i32 {
      %mul3A_20 = arith.constant 2 : i32
      %mul3A_21 = arith.muli %mul3A_20, %scan3A_19 : i32
      %add3A_22 = arith.constant 1 : i32
      %add3A_23 = arith.addi %mul3A_21, %add3A_22 : i32
      %gt3A = arith.constant 0 : i32
      %gt3A_24 = arith.cmpi sgt, %scan3A_19, %gt3A : i32
      %convert_element_type3A = arith.extui %gt3A_24 : i1 to i32
      %cond3A = arith.constant 0 : i32
      %cond3A_25 = arith.cmpi ne, %convert_element_type3A, %cond3A : i32
      scf.if %cond3A_25 {
        %dma_wait3A_68 = arith.constant 0 : i32
        %dma_wait3A_69 = arith.constant 0 : i32
        %dma_wait3A_70 = tpu.memref_slice %arg4[%dma_wait3A_68, %dma_wait3A_69] : memref<819200x32xf32, #tpu.memory_space<hbm>> -> memref<512x32xf32, #tpu.memory_space<hbm>>
        %dma_wait3A_71 = arith.constant 0 : i32
        %dma_wait3A_72 = arith.constant 0 : i32
        %dma_wait3A_73 = tpu.memref_slice %arg4[%dma_wait3A_71, %dma_wait3A_72] : memref<819200x32xf32, #tpu.memory_space<hbm>> -> memref<512x32xf32, #tpu.memory_space<hbm>>
        tpu.wait_dma2 semaphore(%arg10 : memref<!tpu.dma_semaphore, #tpu.memory_space<semaphore_mem>>) src(%arg6 : memref<512x32xf32, #tpu.memory_space<vmem>>) dst(%dma_wait3A_73 : memref<512x32xf32, #tpu.memory_space<hbm>>)
      } else {
      }
      %dma_start3A = arith.constant 0 : i32
      %dma_start3A_26 = tpu.memref_slice %arg5[%mul3A_21, %dma_start3A] : memref<50x512xi32, #tpu.memory_space<vmem>> -> memref<1x512xi32, #tpu.memory_space<vmem>>
      %dma_start3A_27 = tpu.memref_squeeze %dma_start3A_26 : memref<1x512xi32, #tpu.memory_space<vmem>> -> memref<512xi32, #tpu.memory_space<vmem>>
      %dma_start3A_28 = arith.constant 0 : i32
      %dma_start3A_29 = arith.constant 0 : i32
      %dma_start3A_30 = tpu.memref_slice %arg3[%dma_start3A_28, %dma_start3A_29] : memref<1000000x32xf32, #tpu.memory_space<hbm>> -> memref<1000000x32xf32, #tpu.memory_space<hbm>>
      tpu.enqueue_indirect_dma source(%dma_start3A_30 : memref<1000000x32xf32, #tpu.memory_space<hbm>>) target(%arg6 : memref<512x32xf32, #tpu.memory_space<vmem>>) offsets(%dma_start3A_27 : memref<512xi32, #tpu.memory_space<vmem>>) semaphore(%arg8 : memref<!tpu.dma_semaphore, #tpu.memory_space<semaphore_mem>>)
      %gt3A_31 = arith.constant 0 : i32
      %gt3A_32 = arith.cmpi sgt, %scan3A_19, %gt3A_31 : i32
      %convert_element_type3A_33 = arith.extui %gt3A_32 : i1 to i32
      %cond3A_34 = arith.constant 0 : i32
      %cond3A_35 = arith.cmpi ne, %convert_element_type3A_33, %cond3A_34 : i32
      scf.if %cond3A_35 {
        %dma_wait3A_68 = arith.constant 0 : i32
        %dma_wait3A_69 = arith.constant 0 : i32
        %dma_wait3A_70 = tpu.memref_slice %arg4[%dma_wait3A_68, %dma_wait3A_69] : memref<819200x32xf32, #tpu.memory_space<hbm>> -> memref<512x32xf32, #tpu.memory_space<hbm>>
        %dma_wait3A_71 = arith.constant 0 : i32
        %dma_wait3A_72 = arith.constant 0 : i32
        %dma_wait3A_73 = tpu.memref_slice %arg4[%dma_wait3A_71, %dma_wait3A_72] : memref<819200x32xf32, #tpu.memory_space<hbm>> -> memref<512x32xf32, #tpu.memory_space<hbm>>
        tpu.wait_dma2 semaphore(%arg11 : memref<!tpu.dma_semaphore, #tpu.memory_space<semaphore_mem>>) src(%arg7 : memref<512x32xf32, #tpu.memory_space<vmem>>) dst(%dma_wait3A_73 : memref<512x32xf32, #tpu.memory_space<hbm>>)
      } else {
      }
      %dma_start3A_36 = arith.constant 0 : i32
      %dma_start3A_37 = tpu.memref_slice %arg5[%add3A_23, %dma_start3A_36] : memref<50x512xi32, #tpu.memory_space<vmem>> -> memref<1x512xi32, #tpu.memory_space<vmem>>
      %dma_start3A_38 = tpu.memref_squeeze %dma_start3A_37 : memref<1x512xi32, #tpu.memory_space<vmem>> -> memref<512xi32, #tpu.memory_space<vmem>>
      %dma_start3A_39 = arith.constant 0 : i32
      %dma_start3A_40 = arith.constant 0 : i32
      %dma_start3A_41 = tpu.memref_slice %arg3[%dma_start3A_39, %dma_start3A_40] : memref<1000000x32xf32, #tpu.memory_space<hbm>> -> memref<1000000x32xf32, #tpu.memory_space<hbm>>
      tpu.enqueue_indirect_dma source(%dma_start3A_41 : memref<1000000x32xf32, #tpu.memory_space<hbm>>) target(%arg7 : memref<512x32xf32, #tpu.memory_space<vmem>>) offsets(%dma_start3A_38 : memref<512xi32, #tpu.memory_space<vmem>>) semaphore(%arg9 : memref<!tpu.dma_semaphore, #tpu.memory_space<semaphore_mem>>)
      %dma_wait3A_42 = arith.constant 0 : i32
      %dma_wait3A_43 = tpu.memref_slice %arg5[%mul3A_21, %dma_wait3A_42] : memref<50x512xi32, #tpu.memory_space<vmem>> -> memref<1x512xi32, #tpu.memory_space<vmem>>
      %dma_wait3A_44 = tpu.memref_squeeze %dma_wait3A_43 : memref<1x512xi32, #tpu.memory_space<vmem>> -> memref<512xi32, #tpu.memory_space<vmem>>
      %dma_wait3A_45 = arith.constant 0 : i32
      %dma_wait3A_46 = arith.constant 0 : i32
      %dma_wait3A_47 = tpu.memref_slice %arg3[%dma_wait3A_45, %dma_wait3A_46] : memref<1000000x32xf32, #tpu.memory_space<hbm>> -> memref<1000000x32xf32, #tpu.memory_space<hbm>>
      tpu.wait_indirect_dma semaphore(%arg8 : memref<!tpu.dma_semaphore, #tpu.memory_space<semaphore_mem>>) src(%dma_wait3A_47 : memref<1000000x32xf32, #tpu.memory_space<hbm>>) dst(%arg6 : memref<512x32xf32, #tpu.memory_space<vmem>>)
      %mul3A_48 = arith.constant 512 : i32
      %mul3A_49 = arith.muli %mul3A_21, %mul3A_48 : i32
      %add3A_50 = arith.addi %mul3A_2, %mul3A_49 : i32
      %dma_start3A_51 = arith.constant 0 : i32
      %dma_start3A_52 = tpu.memref_slice %arg4[%add3A_50, %dma_start3A_51] : memref<819200x32xf32, #tpu.memory_space<hbm>> -> memref<512x32xf32, #tpu.memory_space<hbm>>
      %dma_start3A_53 = arith.constant 0 : i32
      %dma_start3A_54 = tpu.memref_slice %arg4[%add3A_50, %dma_start3A_53] : memref<819200x32xf32, #tpu.memory_space<hbm>> -> memref<512x32xf32, #tpu.memory_space<hbm>>
      tpu.enqueue_dma source(%arg6 : memref<512x32xf32, #tpu.memory_space<vmem>>) target(%dma_start3A_54 : memref<512x32xf32, #tpu.memory_space<hbm>>) target_semaphore(%arg10 : memref<!tpu.dma_semaphore, #tpu.memory_space<semaphore_mem>>)
      %dma_wait3A_55 = arith.constant 0 : i32
      %dma_wait3A_56 = tpu.memref_slice %arg5[%add3A_23, %dma_wait3A_55] : memref<50x512xi32, #tpu.memory_space<vmem>> -> memref<1x512xi32, #tpu.memory_space<vmem>>
      %dma_wait3A_57 = tpu.memref_squeeze %dma_wait3A_56 : memref<1x512xi32, #tpu.memory_space<vmem>> -> memref<512xi32, #tpu.memory_space<vmem>>
      %dma_wait3A_58 = arith.constant 0 : i32
      %dma_wait3A_59 = arith.constant 0 : i32
      %dma_wait3A_60 = tpu.memref_slice %arg3[%dma_wait3A_58, %dma_wait3A_59] : memref<1000000x32xf32, #tpu.memory_space<hbm>> -> memref<1000000x32xf32, #tpu.memory_space<hbm>>
      tpu.wait_indirect_dma semaphore(%arg9 : memref<!tpu.dma_semaphore, #tpu.memory_space<semaphore_mem>>) src(%dma_wait3A_60 : memref<1000000x32xf32, #tpu.memory_space<hbm>>) dst(%arg7 : memref<512x32xf32, #tpu.memory_space<vmem>>)
      %mul3A_61 = arith.constant 512 : i32
      %mul3A_62 = arith.muli %add3A_23, %mul3A_61 : i32
      %add3A_63 = arith.addi %mul3A_2, %mul3A_62 : i32
      %dma_start3A_64 = arith.constant 0 : i32
      %dma_start3A_65 = tpu.memref_slice %arg4[%add3A_63, %dma_start3A_64] : memref<819200x32xf32, #tpu.memory_space<hbm>> -> memref<512x32xf32, #tpu.memory_space<hbm>>
      %dma_start3A_66 = arith.constant 0 : i32
      %dma_start3A_67 = tpu.memref_slice %arg4[%add3A_63, %dma_start3A_66] : memref<819200x32xf32, #tpu.memory_space<hbm>> -> memref<512x32xf32, #tpu.memory_space<hbm>>
      tpu.enqueue_dma source(%arg7 : memref<512x32xf32, #tpu.memory_space<vmem>>) target(%dma_start3A_67 : memref<512x32xf32, #tpu.memory_space<hbm>>) target_semaphore(%arg11 : memref<!tpu.dma_semaphore, #tpu.memory_space<semaphore_mem>>)
    }
    %scan3A_7 = arith.constant 25 : i32
    %dma_wait3A = arith.constant 0 : i32
    %dma_wait3A_8 = arith.constant 0 : i32
    %dma_wait3A_9 = tpu.memref_slice %arg4[%dma_wait3A, %dma_wait3A_8] : memref<819200x32xf32, #tpu.memory_space<hbm>> -> memref<512x32xf32, #tpu.memory_space<hbm>>
    %dma_wait3A_10 = arith.constant 0 : i32
    %dma_wait3A_11 = arith.constant 0 : i32
    %dma_wait3A_12 = tpu.memref_slice %arg4[%dma_wait3A_10, %dma_wait3A_11] : memref<819200x32xf32, #tpu.memory_space<hbm>> -> memref<512x32xf32, #tpu.memory_space<hbm>>
    tpu.wait_dma2 semaphore(%arg10 : memref<!tpu.dma_semaphore, #tpu.memory_space<semaphore_mem>>) src(%arg6 : memref<512x32xf32, #tpu.memory_space<vmem>>) dst(%dma_wait3A_12 : memref<512x32xf32, #tpu.memory_space<hbm>>)
    %dma_wait3A_13 = arith.constant 0 : i32
    %dma_wait3A_14 = arith.constant 0 : i32
    %dma_wait3A_15 = tpu.memref_slice %arg4[%dma_wait3A_13, %dma_wait3A_14] : memref<819200x32xf32, #tpu.memory_space<hbm>> -> memref<512x32xf32, #tpu.memory_space<hbm>>
    %dma_wait3A_16 = arith.constant 0 : i32
    %dma_wait3A_17 = arith.constant 0 : i32
    %dma_wait3A_18 = tpu.memref_slice %arg4[%dma_wait3A_16, %dma_wait3A_17] : memref<819200x32xf32, #tpu.memory_space<hbm>> -> memref<512x32xf32, #tpu.memory_space<hbm>>
    tpu.wait_dma2 semaphore(%arg11 : memref<!tpu.dma_semaphore, #tpu.memory_space<semaphore_mem>>) src(%arg7 : memref<512x32xf32, #tpu.memory_space<vmem>>) dst(%dma_wait3A_18 : memref<512x32xf32, #tpu.memory_space<hbm>>)
    return
  }
}

</mosaic_0001>

<sc_bundles>
// kernel: kernel.4.cloned.1.call-start
scs
__scs_entry_jumppad:
0x0: {  	(pc) =	sbr.rel $0x88, $3  }
0x1: {  	(tag) =	ssettag $0x0;
	lr =	simm.s32 $0x1  }
0x2: {  	[smem:$0x3F9E] =	sst lr;
	_ =	strace $0xD0000000  }
0x3: {  	_ = 	snop  }
0x4: {  	_ = 	snop  }
0x5: {  	_ = 	snop  }
0x6: {  	_ = 	snop  }
0x7: {  	_ = 	snop  }
__scs_overlays_trampoline_lowered:
0x8: {  	[smem:$0x3FAD] =	sst s0  }
0x9: {  	[smem:$0x3FAE] =	sst s1  }
0xa: {  	[smem:$0x3FAF] =	sst s2  }
0xb: {  	[smem:$0x3FB0] =	sst s3  }
0xc: {  	[smem:$0x3FB1] =	sst s4  }
0xd: {  	[smem:$0x3FB2] =	sst s5  }
0xe: {  	[smem:$0x3FB3] =	sst s6  }
0xf: {  	[smem:$0x3FB4] =	sst s7  }
0x10: {  	[smem:$0x3FB5] =	sst s8  }
0x11: {  	[smem:$0x3FB6] =	sst s9;
	s0 =	simm.s32 @!p0 $0x0  }
0x12: {  	s1 =	sld [smem:$0x3F9C];
	s0 =	simm.s32 @p0 $0x1  }
0x13: {  	[smem:$0x3FB7] =	sst s0;
	s0 =	simm.s32 @!p1 $0x0  }
0x14: {  	s2 =	sld [smem:$0x3F9B];
	s0 =	simm.s32 @p1 $0x1  }
0x15: {  	[smem:$0x3FB8] =	sst s0;
	s0 =	simm.s32 @!p2 $0x0  }
0x16: {  	s3 =	sld [smem:$0x3FDB];
	s0 =	simm.s32 @p2 $0x1  }
0x17: {  	s4 =	simm.s32 $0x1BF5;
	[smem:$0x3FBA] =	sst s0  }
0x18: {  	s0 =	sld [smem:$0x3F9D];
	_ =	swait.ge [sflag:s4], $0x0  }
0x19: {  	s7 =	sld [smem:$0x3F9E]  }
0x1a: {  	s8 =	sadd.s32 $0xFFFFE003, lr  }
0x1b: {  	s9 =	sadd.s32 $0xFFFFFEF7, lr;
	s5 =	simm.s32 $0xFFFFFFFF;
	p2 =	slt.u32 s8, $0xFFFFF086  }
0x1c: {  	p1 =	slt.u32 s9, $0xF7A;
	s5 =	simm.s32 @!p2 $0x0  }
0x1d: {  	s5 =	simm.s32 @p1 $0x1;
	p0 =	seq.s32 s7, s2  }
0x1e: {  	s7 =	smul.u32 @!p0 $0xF7A, s2;
	p2 =	seq.s32 @!p0 s5, $0x0  }
0x1f: {  	s9 =	smul.u32 $0xF7A, s1;
	s8 =	simm.s32 @!p0 $0x1BF5;
	p2 =	por !p2, p0  }
0x20: {  	[sflag:s8] =	ssyncset.s32 @!p0 $0xFFFFF086;
	s6 =	sadd.s32 @!p0 s3, s7;
	s7 =	simm.s32 @!p0 $0x108  }
0x21: {  	s3 =	sadd.s32 s3, s9;
	s6 =	sadd.s32 @!p0 $0x88, s6;
	s7 =	simm.s32 @p2 $0x1082  }
0x22: {  	[simem:s7], [sflag:s8] =	dma.local @!p0 [hbm:s6], $0xF7A  }
0x23: {  	s9 =	sor.u32 $0xD0000000, s2;
	s6 =	simm.s32 $0x108;
	_ =	swait.ge @!p0 [sflag:s8], $0x0  }
0x24: {  	s3 =	sadd.s32 $0x88, s3;
	s6 =	simm.s32 @!p1 $0x1082;
	[sflag:s4] =	ssyncset.s32 $0xFFFFF086  }
0x25: {  	[simem:s6], [sflag:s4] =	dma.local [hbm:s3], $0xF7A  }
0x26: {  	[smem:$0x3F9E] =	sst s1;
	(tag) =	ssettag s2;
	_ =	strace s9  }
0x27: {  	s1 =	sld [smem:$0x3FAE]  }
0x28: {  	s2 =	sld [smem:$0x3FAF]  }
0x29: {  	s4 =	sld [smem:$0x3FB1]  }
0x2a: {  	p0 =	seq.s32 s5, $0x0;
	s5 =	sld [smem:$0x3FB2]  }
0x2b: {  	s6 =	sld [smem:$0x3FB3]  }
0x2c: {  	s7 =	sld [smem:$0x3FB4]  }
0x2d: {  	s3 =	simm.s32 $0x108;
	s8 =	sld [smem:$0x3FB5]  }
0x2e: {  	s3 =	simm.s32 @!p0 $0x1082;
	s9 =	sld [smem:$0x3FB6]  }
0x2f: {  	lr =	sadd.s32 s0, s3;
	s0 =	sld [smem:$0x3FAD]  }
0x30: {  	s3 =	sld [smem:$0x3FB0]  }
0x31: {  	[smem:$0x3FB9] =	sst s10  }
0x32: {  	s10 =	sld [smem:$0x3FB7];
	_ =	sdelay $0x3  }
0x33: {  	p0 =	seq.s32 s10, $0x1;
	s10 =	sld [smem:$0x3FB9];
	_ =	sdelay $0x3  }
0x34: {  	[smem:$0x3FB9] =	sst s10  }
0x35: {  	s10 =	sld [smem:$0x3FB8];
	_ =	sdelay $0x3  }
0x36: {  	p1 =	seq.s32 s10, $0x1;
	s10 =	sld [smem:$0x3FB9];
	_ =	sdelay $0x3  }
0x37: {  	[smem:$0x3FB9] =	sst s10  }
0x38: {  	s10 =	sld [smem:$0x3FBA]  }
0x39: {  	_ = 	snop;
	(pc) =	sbr.ind lr, $3  }
0x3a: {  	_ = 	snop  }
0x3b: {  	_ = 	snop  }
0x3c: {  	p2 =	seq.s32 s10, $0x1;
	s10 =	sld [smem:$0x3FB9]  }
0x3d: {  	_ =	shalt  }
0x3e: {  	_ =	shalt  }
0x3f: {  	_ =	shalt  }
0x40: {  	_ =	shalt  }
0x41: {  	_ =	shalt  }
0x42: {  	_ =	shalt  }
0x43: {  	_ =	shalt  }
0x44: {  	_ =	shalt  }
0x45: {  	_ =	shalt  }
0x46: {  	_ =	shalt  }
0x47: {  	_ =	shalt  }
0x48: {  	_ =	shalt  }
0x49: {  	_ =	shalt  }
0x4a: {  	_ =	shalt  }
0x4b: {  	_ =	shalt  }
0x4c: {  	_ =	shalt  }
0x4d: {  	_ =	shalt  }
0x4e: {  	_ =	shalt  }
0x4f: {  	_ =	shalt  }
0x50: {  	_ =	shalt  }
0x51: {  	_ =	shalt  }
0x52: {  	_ =	shalt  }
0x53: {  	_ =	shalt  }
0x54: {  	_ =	shalt  }
0x55: {  	_ =	shalt  }
0x56: {  	_ =	shalt  }
0x57: {  	_ =	shalt  }
0x58: {  	_ =	shalt  }
0x59: {  	_ =	shalt  }
0x5a: {  	_ =	shalt  }
0x5b: {  	_ =	shalt  }
0x5c: {  	_ =	shalt  }
0x5d: {  	_ =	shalt  }
0x5e: {  	_ =	shalt  }
0x5f: {  	_ =	shalt  }
0x60: {  	_ =	shalt  }
0x61: {  	_ =	shalt  }
0x62: {  	_ =	shalt  }
0x63: {  	_ =	shalt  }
0x64: {  	_ =	shalt  }
0x65: {  	_ =	shalt  }
0x66: {  	_ =	shalt  }
0x67: {  	_ =	shalt  }
0x68: {  	_ =	shalt  }
0x69: {  	_ =	shalt  }
0x6a: {  	_ =	shalt  }
0x6b: {  	_ =	shalt  }
0x6c: {  	_ =	shalt  }
0x6d: {  	_ =	shalt  }
0x6e: {  	_ =	shalt  }
0x6f: {  	_ =	shalt  }
0x70: {  	_ =	shalt  }
0x71: {  	_ =	shalt  }
0x72: {  	_ =	shalt  }
0x73: {  	_ =	shalt  }
0x74: {  	_ =	shalt  }
0x75: {  	_ =	shalt  }
0x76: {  	_ =	shalt  }
0x77: {  	_ =	shalt  }
0x78: {  	_ =	shalt  }
0x79: {  	_ =	shalt  }
0x7a: {  	_ =	shalt  }
0x7b: {  	_ =	shalt  }
0x7c: {  	_ =	shalt  }
0x7d: {  	_ =	shalt  }
0x7e: {  	_ =	shalt  }
0x7f: {  	_ =	shalt  }
0x80: {  	_ =	shalt  }
0x81: {  	_ =	shalt  }
0x82: {  	_ =	shalt  }
0x83: {  	_ =	shalt  }
0x84: {  	_ =	shalt  }
0x85: {  	_ =	shalt  }
0x86: {  	_ =	shalt  }
0x87: {  	_ =	shalt  }
.Lfunc_end0:
.L_simem_size_0:
called_computation.2_lowered:
.L_overlay_start_0:
0x88: {  	s2 =	sld [smem:$0x3FD9]  }
0x89: {  	s3 =	sld [smem:$0x3FFE];
	_ =	sdelay $0x1  }
0x8a: {  	s1 =	srdreg.scid  }
0x8b: {  	s0 =	sand.u32 $0x1, s1  }
0x8c: {  	s14 =	sshll.u32 s0, $0xA;
	s2 =	sadd.s32 s3, s2  }
0x8d: {  	s2 =	sadd.s32 s2, s14  }
0x8e: {  	[smem:$0x3FC5] =	sst s2  }
0x8f: {  	_ = 	snop  }
0x90: {  	s2 =	sld [smem:$0x3FD0];
	_ =	sdelay $0x2  }
0x91: {  	s15 =	simm.s32 $0xB;
	s4 =	simm.s32 $0x10  }
0x92: {  	[smem:s4], [sflag:s15] =	dma.local [hbm:s2], $0x1  }
0x93: {  	_ =	swait.eq [sflag:s15], $0x1  }
0x94: {  	[sflag:s15] =	ssyncset.done $0x0  }
0x95: {  	[sflag:s15] =	ssyncadd.s32 $0xFFFFFFFF  }
0x96: {  	s16 =	sld [smem:$0x10];
	(tm) =	ssettm $0x1  }
0x97: {  	s17 =	sld [smem:$0x3FFB];
	_ =	sdelay $0x3  }
0x98: {  	_ =	strace s17  }
0x99: {  	s3 =	sld [smem:$0x3FFC];
	_ =	sdelay $0x3  }
0x9a: {  	_ =	strace s3  }
0x9b: {  	s3 =	sld [smem:$0x3FFD];
	_ =	sdelay $0x3  }
0x9c: {  	_ =	strace s3  }
0x9d: {  	_ =	strace $0x8FFFFFFF  }
0x9e: {  	s18 =	sld [smem:$0x3FDB];
	_ =	sdelay $0x1  }
0x9f: {  	s19 =	simm.s32 $_scs_section_size  }
0xa0: {  	s5 =	simm.s32 $_size__tile_overlayer_lowered;
	s6 =	simm.s32 $_tile_overlayer_lowered  }
0xa1: {  	s22 =	simm.s32 $0x1BFF;
	s21 =	sshll.u32 s6, $0x1;
	s3 =	sadd.s32 s19, s18  }
0xa2: {  	s7 =	simm.s32 $0x0;
	s20 =	sshll.u32 s5, $0x1;
	s5 =	sadd.s32 s21, s3  }
0xa3: {  	[timem:s7], [sflag:s22] =	dma.local [hbm:s5], s20  }
0xa4: {  	_ =	swait.ge [sflag:s22], s20  }
0xa5: {  	s4 =	ssub.s32 $0x0, s20;
	[sflag:s22] =	ssyncset.done $0x0  }
0xa6: {  	[sflag:s22] =	ssyncadd.s32 s4;
	_ =	sdelay $0x1  }
0xa7: {  	s23 =	simm.s32 $0x1B8B  }
0xa8: {  	_ =	swait.ge [sflag:s23], $0x1  }
0xa9: {  	[sflag:s23] =	ssyncset.done $0x0  }
0xaa: {  	s25 =	simm.s32 $0x1B8E;
	s24 =	sld [smem:$0x3FFE];
	[sflag:s23] =	ssyncadd.s32 $0xFFFFFFFF  }
0xab: {  	s26 =	simm.s32 $execute0_lowered;
	[smem:$0x3FD2] =	sst s25  }
0xac: {  	s5 =	sshll.u32 s26, $0x1;
	_ =	strace $0x80000046;
	[dreg:$0x1] =	wrdreg $0xFFFFFFFF  }
0xad: {  	s28 =	simm.s32 $_size_execute0_lowered;
	s3 =	sadd.s32 s3, s5;
	[dreg:$0x0] =	wrdreg $0x0  }
0xae: {  	s5 =	sshll.u32 s28, $0x1;
	[dreg:$0x2] =	wrdreg s3  }
0xaf: {  	[dreg:$0x3] =	wrdreg s5  }
0xb0: {  	[dreg:$0x4] =	wrdreg $0xC0  }
0xb1: {  	_ =	task [dreg:s7], $0x5FFFF  }
0xb2: {  	[dreg:$0x1] =	wrdreg $0xFFFFFFFF  }
0xb3: {  	[dreg:$0x0] =	wrdreg $0x60  }
0xb4: {  	[dreg:$0x2] =	wrdreg s24  }
0xb5: {  	[dreg:$0x3] =	wrdreg s16  }
0xb6: {  	[dreg:$0x4] =	wrdreg $0x9  }
0xb7: {  	_ =	task.clear_ibuf [dreg:s7], $0x5FFFF;
	_ =	strace $0x90000046  }
0xb8: {  	s29 =	simm.s32 $0x9;
	_ =	strace $0x80000048  }
0xb9: {  	_ =	swait.ge [sflag:s29], $0x1  }
0xba: {  	[sflag:s29] =	ssyncadd.s32 $0xFFFFFFFF  }
0xbb: {  	_ =	strace $0x90000048  }
0xbc: {  	_ =	sfence  }
0xbd: {  	s30 =	sld [smem:$0x0];
	_ =	sdelay $0x2  }
0xbe: {  	s31 =	sshll.u32 s1, $0xD;
	s1 =	sshrl.u32 s1, $0x2  }
0xbf: {  	s3 =	sand.u32 $0x4000, s31;
	s1 =	sadd.s32 s1, s30  }
0xc0: {  	s0 =	sor.u32 s3, s0;
	s1 =	sshll.u32 s1, $0x11  }
0xc1: {  	s0 =	sor.u32 s1, s0  }
0xc2: {  	s0 =	sadd.s32 $0x8F2B, s0  }
0xc3: {  	[sflag:s0] =	ssyncadd.remote.s32 $0x1  }
0xc4: {  	_ =	sfence.sel $0xFFFF  }
0xc5: {  	[dreg:$0x0] =	wrdreg $0xFFFFFFFF;
	(pc) =	sbr.abs _section_cstart, $3  }
0xc6: {  	[dreg:$0x1] =	wrdreg $0xFFFFFFFF  }
0xc7: {  	_ =	task.clear_ibuf [dreg:s7], $0x2FFFF;
	_ =	strace $0x9FFFFFFF  }
0xc8: {  	(tm) =	ssettm $0x7FFFFFFF  }
0xc9: {  	_ =	shalt  }
tec
execute0_lowered:
.L_overlay_start_1:
0x0: {  	(tag) =	ssettag $0x1  }
0x1: {  	s1 =	srdreg.scid  }
0x2: {  	s0 =	stileid.u32;
	s4 =	rddreg [dreg:$0x0]  }
0x3: {  	s2 =	rddreg [dreg:$0x1];
	s3 =	simm.s32 $0x0;
	s14 =	simm.s32 $0xA400  }
0x4: {  	s15 =	simm.s32 $0x1;
	s16 =	simm.s32 $0x2;
	s10 =	smul.u32 $0xC800, s0  }
0x5: {  	s17 =	simm.s32 $0x3;
	s6 =	sand.u32 $0x1, s1;
	s28 =	smul.u32 $0x190000, s0  }
0x6: {  	s18 =	simm.s32 $0x4;
	s24 =	sshll.u32 s0, $0x1;
	s12 =	smul.u32 $0x6400, s6  }
0x7: {  	s1 =	rddreg [dreg:$0x2];
	s5 =	sor.u32 s6, s24;
	s13 =	smul.u32 $0xC8000, s6  }
0x8: {  	s19 =	simm.s32 $0x0;
	[smem:$0x7FF] =	sst s3;
	s7 =	smul.u32 $0x6400, s5  }
0x9: {  	_ =	strace $0x80000047;
	s26 =	ssub.s32 $0x2, s6;
	s8 =	smul.u32 $0xC8000, s5  }
0xa: {  	s9 =	smul.u32 $0x19000, s5;
	s11 =	sshrl.u32 s26, $0x1;
	s10 =	sadd.s32 s12, s10  }
0xb: {  	s30 =	sadd.s32 s13, s28;
	s12 =	simm.s32 $0x200;
	s13 =	simm.s32 $0x6400  }
0xc: {  	s7 =	sshrl.u32 s7, $0x3;
	s8 =	sshrl.u32 s8, $0x3;
	s29 =	sshll.u32 s10, $0x2  }
0xd: {  	s9 =	sadd.s32 s9, s2;
	s25 =	sadd.s32 s7, s4;
	s4 =	sadd.s32 $0xF5C400, s4  }
0xe: {  	s7 =	ssub.s32 s26, s11;
	s31 =	sadd.s32 s2, s29;
	s11 =	simm.s32 $0x5  }
0xf: {  	s5 =	sadd.s32 $0x1000, s25;
	s6 =	smax.u32 s7, $0x1;
	s7 =	sadd.s32 s2, s8  }
0x10: {  	s8 =	sadd.s32 $0x800, s9;
	s9 =	sadd.s32 $0x8000, s30;
	s10 =	sadd.s32 $0x1800, s31  }
.LBB2_1:
0x11: {  	[tilespmem:s3], [sflag:$0x5] =	stream.linear.gather [hbm4b:s5+s3], $0x6400, $0x38;
	[tilespmem:$0xE400] =	vst v63  }
0x12: {  	_ =	swait.ge [sflag:s11], $0x6400  }
0x13: {  	[sflag:s11] =	ssyncset.done $0x0  }
0x14: {  	[sflag:s11] =	ssyncadd.s32 $0xFFFF9C00  }
0x15: {  	[tilespmem:s13], [sflag:$0x1] =	stream.indirect.gather [hbm4b:s4+s12], $0x20, s3, s12, $0xb8;
	[tilespmem:$0xE400] =	vst v63  }
0x16: {  	_ = 	snop  }
0x17: {  	[tilespmem:s14], [sflag:$0x2] =	stream.indirect.gather [hbm4b:s4+s12], $0x20, s12, s12, $0xb8;
	[tilespmem:$0xE400] =	vst v63  }
0x18: {  	_ =	swait.ge [sflag:s15], $0x4000  }
0x19: {  	[sflag:s15] =	ssyncset.done $0x0  }
0x1a: {  	[sflag:s15] =	ssyncadd.s32 $0xFFFFC000  }
0x1b: {  	[hbm4b:s7+s3] =	stream.linear.scatter [tilespmem:s13], [sflag:$0x3], $0x4000, $0x38;
	[tilespmem:$0xE400] =	vst v63  }
0x1c: {  	_ =	swait.ge [sflag:s16], $0x4000  }
0x1d: {  	[sflag:s16] =	ssyncset.done $0x0  }
0x1e: {  	[sflag:s16] =	ssyncadd.s32 $0xFFFFC000  }
0x1f: {  	[hbm4b:s8+s3] =	stream.linear.scatter [tilespmem:s14], [sflag:$0x4], $0x4000, $0x38;
	[tilespmem:$0xE400] =	vst v63  }
0x20: {  	_ =	swait.ge [sflag:s17], $0x4000  }
0x21: {  	[sflag:s17] =	ssyncset.done $0x0  }
0x22: {  	s20 =	simm.s32 $0x400;
	[sflag:s17] =	ssyncadd.s32 $0xFFFFC000  }
0x23: {  	[tilespmem:s13], [sflag:$0x1] =	stream.indirect.gather [hbm4b:s4+s12], $0x20, s20, s12, $0xb8;
	[tilespmem:$0xE400] =	vst v63  }
0x24: {  	_ =	swait.ge [sflag:s18], $0x4000  }
0x25: {  	[sflag:s18] =	ssyncset.done $0x0  }
0x26: {  	s30 =	simm.s32 $0x600;
	[sflag:s18] =	ssyncadd.s32 $0xFFFFC000  }
0x27: {  	[tilespmem:s14], [sflag:$0x2] =	stream.indirect.gather [hbm4b:s4+s12], $0x20, s30, s12, $0xb8;
	[tilespmem:$0xE400] =	vst v63  }
0x28: {  	_ =	swait.ge [sflag:s15], $0x4000  }
0x29: {  	s31 =	sshrl.u32 s9, $0x3;
	[sflag:s15] =	ssyncset.done $0x0  }
0x2a: {  	s20 =	sadd.s32 s2, s31;
	[sflag:s15] =	ssyncadd.s32 $0xFFFFC000  }
0x2b: {  	[hbm4b:s20+s3] =	stream.linear.scatter [tilespmem:s13], [sflag:$0x3], $0x4000, $0x38;
	[tilespmem:$0xE400] =	vst v63  }
0x2c: {  	_ =	swait.ge [sflag:s16], $0x4000  }
0x2d: {  	s22 =	sadd.s32 $0x0, s10;
	[sflag:s16] =	ssyncset.done $0x0  }
0x2e: {  	s21 =	sadd.s32 $0x8000, s9;
	s20 =	simm.s32 $0x1000;
	[sflag:s16] =	ssyncadd.s32 $0xFFFFC000  }
.LBB2_2:
0x2f: {  	[hbm4b:s22+s3] =	stream.linear.scatter [tilespmem:s14], [sflag:$0x4], $0x4000, $0x38;
	[tilespmem:$0xE400] =	vst v63  }
0x30: {  	s22 =	smov.u32 s20  }
0x31: {  	p0 =	sne.s32 s20, $0x17000;
	s20 =	sadd.s32 $0x1000, s20;
	_ =	swait.ge [sflag:s17], $0x4000  }
0x32: {  	s23 =	sshra.s32 s22, $0x2;
	[sflag:s17] =	ssyncset.done $0x0  }
0x33: {  	s24 =	sadd.s32 $0x400, s23;
	[sflag:s17] =	ssyncadd.s32 $0xFFFFC000  }
0x34: {  	[tilespmem:s13], [sflag:$0x1] =	stream.indirect.gather [hbm4b:s4+s12], $0x20, s24, s12, $0xb8;
	[tilespmem:$0xE400] =	vst v63  }
0x35: {  	_ =	swait.ge [sflag:s18], $0x4000  }
0x36: {  	[sflag:s18] =	ssyncset.done $0x0  }
0x37: {  	s23 =	sadd.s32 $0x600, s23;
	[sflag:s18] =	ssyncadd.s32 $0xFFFFC000  }
0x38: {  	[tilespmem:s14], [sflag:$0x2] =	stream.indirect.gather [hbm4b:s4+s12], $0x20, s23, s12, $0xb8;
	[tilespmem:$0xE400] =	vst v63  }
0x39: {  	_ =	swait.ge [sflag:s15], $0x4000  }
0x3a: {  	s23 =	sshrl.u32 s21, $0x3;
	[sflag:s15] =	ssyncset.done $0x0  }
.Ltmp0:
0x3b: {  	s23 =	sadd.s32 s2, s23;
	[sflag:s15] =	ssyncadd.s32 $0xFFFFC000;
	(pc) =	sbr.rel @p0 .LBB2_2-.Ltmp0, $4  }
0x3c: {  	[hbm4b:s23+s3] =	stream.linear.scatter [tilespmem:s13], [sflag:$0x3], $0x4000, $0x38;
	[tilespmem:$0xE400] =	vst v63  }
0x3d: {  	_ =	swait.ge [sflag:s16], $0x4000  }
0x3e: {  	[sflag:s16] =	ssyncset.done $0x0  }
0x3f: {  	s22 =	sadd.s32 s22, s10;
	s21 =	sadd.s32 $0x8000, s21;
	[sflag:s16] =	ssyncadd.s32 $0xFFFFC000  }
0x40: {  	[hbm4b:s22+s3] =	stream.linear.scatter [tilespmem:s14], [sflag:$0x4], $0x4000, $0x38;
	[tilespmem:$0xE400] =	vst v63  }
0x41: {  	s19 =	sadd.s32 $0x1, s19  }
0x42: {  	_ =	swait.ge [sflag:s17], $0x4000;
	p0 =	sne.s32 s19, s6  }
.Ltmp1:
0x43: {  	[sflag:s17] =	ssyncset.done $0x0;
	(pc) =	sbr.rel @p0 .LBB2_1-.Ltmp1, $4  }
0x44: {  	[sflag:s17] =	ssyncadd.s32 $0xFFFFC000  }
0x45: {  	_ =	swait.ge [sflag:s18], $0x4000  }
0x46: {  	[sflag:s18] =	ssyncset.done $0x0  }
0x47: {  	[sflag:s18] =	ssyncadd.s32 $0xFFFFC000  }
0x48: {  	_ =	sfence.sel $0x180000  }
0x49: {  	[bflag:$0x0] =	sbarrier.arrive $0xFFFF  }
0x4a: {  	p0 =	sne.s32 s0, $0x0;
	_ =	strace $0x90000047  }
0x4b: {  	s0 =	sadd.s32 @!p0 $0x100000, s1;
	[bflag:$0x2] =	sbarrier.arrive $0xFFFF  }
0x4c: {  	[sflag:s0] =	ssyncadd.tile.s32 @!p0 $0x1;
	_ =	shalt  }
.Lfunc_end2:
_tile_overlayer_lowered:
.L_overlay_start_2:
0x4d: {  	(tag) =	ssettag $0x2  }
0x4e: {  	s0 =	rddreg [dreg:$0x0];
	s2 =	stileid.u32  }
0x4f: {  	s1 =	rddreg [dreg:$0x1];
	p0 =	sne.s32 s2, $0x0  }
0x50: {  	s3 =	rddreg [dreg:$0x2];
	[bflag:$0x3] =	sbarrier.arrive $0xFFFF;
	s2 =	simm.s32 @!p0 $0x1C05  }
0x51: {  	[timem:s3], [sflag:s2] =	dma.local @!p0 [hbm:s0], s1  }
0x52: {  	s0 =	simm.s32 @!p0 $0x5  }
0x53: {  	_ =	swait.ge @!p0 [sflag:s0], s1  }
0x54: {  	s1 =	ssub.s32 @!p0 $0x0, s1;
	[sflag:s0] =	ssyncset.done @!p0 $0x0  }
0x55: {  	[sflag:s0] =	ssyncadd.s32 @!p0 s1  }
0x56: {  	[bflag:$0x3] =	sbarrier.arrive $0xFFFF  }
0x57: {  	_ =	shalt  }

// kernel: kernel.7.cloned.1.call-start
scs
__scs_entry_jumppad:
0x0: {  	(pc) =	sbr.rel $0x88, $3  }
0x1: {  	(tag) =	ssettag $0x0;
	lr =	simm.s32 $0x1  }
0x2: {  	[smem:$0x3F9E] =	sst lr;
	_ =	strace $0xD0000000  }
0x3: {  	_ = 	snop  }
0x4: {  	_ = 	snop  }
0x5: {  	_ = 	snop  }
0x6: {  	_ = 	snop  }
0x7: {  	_ = 	snop  }
__scs_overlays_trampoline_lowered:
0x8: {  	[smem:$0x3FAD] =	sst s0  }
0x9: {  	[smem:$0x3FAE] =	sst s1  }
0xa: {  	[smem:$0x3FAF] =	sst s2  }
0xb: {  	[smem:$0x3FB0] =	sst s3  }
0xc: {  	[smem:$0x3FB1] =	sst s4  }
0xd: {  	[smem:$0x3FB2] =	sst s5  }
0xe: {  	[smem:$0x3FB3] =	sst s6  }
0xf: {  	[smem:$0x3FB4] =	sst s7  }
0x10: {  	[smem:$0x3FB5] =	sst s8  }
0x11: {  	[smem:$0x3FB6] =	sst s9;
	s0 =	simm.s32 @!p0 $0x0  }
0x12: {  	s1 =	sld [smem:$0x3F9C];
	s0 =	simm.s32 @p0 $0x1  }
0x13: {  	[smem:$0x3FB7] =	sst s0;
	s0 =	simm.s32 @!p1 $0x0  }
0x14: {  	s2 =	sld [smem:$0x3F9B];
	s0 =	simm.s32 @p1 $0x1  }
0x15: {  	[smem:$0x3FB8] =	sst s0;
	s0 =	simm.s32 @!p2 $0x0  }
0x16: {  	s3 =	sld [smem:$0x3FDB];
	s0 =	simm.s32 @p2 $0x1  }
0x17: {  	s4 =	simm.s32 $0x1BF5;
	[smem:$0x3FBA] =	sst s0  }
0x18: {  	s0 =	sld [smem:$0x3F9D];
	_ =	swait.ge [sflag:s4], $0x0  }
0x19: {  	s7 =	sld [smem:$0x3F9E]  }
0x1a: {  	s8 =	sadd.s32 $0xFFFFE003, lr  }
0x1b: {  	s9 =	sadd.s32 $0xFFFFFEF7, lr;
	s5 =	simm.s32 $0xFFFFFFFF;
	p2 =	slt.u32 s8, $0xFFFFF086  }
0x1c: {  	p1 =	slt.u32 s9, $0xF7A;
	s5 =	simm.s32 @!p2 $0x0  }
0x1d: {  	s5 =	simm.s32 @p1 $0x1;
	p0 =	seq.s32 s7, s2  }
0x1e: {  	s7 =	smul.u32 @!p0 $0xF7A, s2;
	p2 =	seq.s32 @!p0 s5, $0x0  }
0x1f: {  	s9 =	smul.u32 $0xF7A, s1;
	s8 =	simm.s32 @!p0 $0x1BF5;
	p2 =	por !p2, p0  }
0x20: {  	[sflag:s8] =	ssyncset.s32 @!p0 $0xFFFFF086;
	s6 =	sadd.s32 @!p0 s3, s7;
	s7 =	simm.s32 @!p0 $0x108  }
0x21: {  	s3 =	sadd.s32 s3, s9;
	s6 =	sadd.s32 @!p0 $0x88, s6;
	s7 =	simm.s32 @p2 $0x1082  }
0x22: {  	[simem:s7], [sflag:s8] =	dma.local @!p0 [hbm:s6], $0xF7A  }
0x23: {  	s9 =	sor.u32 $0xD0000000, s2;
	s6 =	simm.s32 $0x108;
	_ =	swait.ge @!p0 [sflag:s8], $0x0  }
0x24: {  	s3 =	sadd.s32 $0x88, s3;
	s6 =	simm.s32 @!p1 $0x1082;
	[sflag:s4] =	ssyncset.s32 $0xFFFFF086  }
0x25: {  	[simem:s6], [sflag:s4] =	dma.local [hbm:s3], $0xF7A  }
0x26: {  	[smem:$0x3F9E] =	sst s1;
	(tag) =	ssettag s2;
	_ =	strace s9  }
0x27: {  	s1 =	sld [smem:$0x3FAE]  }
0x28: {  	s2 =	sld [smem:$0x3FAF]  }
0x29: {  	s4 =	sld [smem:$0x3FB1]  }
0x2a: {  	p0 =	seq.s32 s5, $0x0;
	s5 =	sld [smem:$0x3FB2]  }
0x2b: {  	s6 =	sld [smem:$0x3FB3]  }
0x2c: {  	s7 =	sld [smem:$0x3FB4]  }
0x2d: {  	s3 =	simm.s32 $0x108;
	s8 =	sld [smem:$0x3FB5]  }
0x2e: {  	s3 =	simm.s32 @!p0 $0x1082;
	s9 =	sld [smem:$0x3FB6]  }
0x2f: {  	lr =	sadd.s32 s0, s3;
	s0 =	sld [smem:$0x3FAD]  }
0x30: {  	s3 =	sld [smem:$0x3FB0]  }
0x31: {  	[smem:$0x3FB9] =	sst s10  }
0x32: {  	s10 =	sld [smem:$0x3FB7];
	_ =	sdelay $0x3  }
0x33: {  	p0 =	seq.s32 s10, $0x1;
	s10 =	sld [smem:$0x3FB9];
	_ =	sdelay $0x3  }
0x34: {  	[smem:$0x3FB9] =	sst s10  }
0x35: {  	s10 =	sld [smem:$0x3FB8];
	_ =	sdelay $0x3  }
0x36: {  	p1 =	seq.s32 s10, $0x1;
	s10 =	sld [smem:$0x3FB9];
	_ =	sdelay $0x3  }
0x37: {  	[smem:$0x3FB9] =	sst s10  }
0x38: {  	s10 =	sld [smem:$0x3FBA]  }
0x39: {  	_ = 	snop;
	(pc) =	sbr.ind lr, $3  }
0x3a: {  	_ = 	snop  }
0x3b: {  	_ = 	snop  }
0x3c: {  	p2 =	seq.s32 s10, $0x1;
	s10 =	sld [smem:$0x3FB9]  }
0x3d: {  	_ =	shalt  }
0x3e: {  	_ =	shalt  }
0x3f: {  	_ =	shalt  }
0x40: {  	_ =	shalt  }
0x41: {  	_ =	shalt  }
0x42: {  	_ =	shalt  }
0x43: {  	_ =	shalt  }
0x44: {  	_ =	shalt  }
0x45: {  	_ =	shalt  }
0x46: {  	_ =	shalt  }
0x47: {  	_ =	shalt  }
0x48: {  	_ =	shalt  }
0x49: {  	_ =	shalt  }
0x4a: {  	_ =	shalt  }
0x4b: {  	_ =	shalt  }
0x4c: {  	_ =	shalt  }
0x4d: {  	_ =	shalt  }
0x4e: {  	_ =	shalt  }
0x4f: {  	_ =	shalt  }
0x50: {  	_ =	shalt  }
0x51: {  	_ =	shalt  }
0x52: {  	_ =	shalt  }
0x53: {  	_ =	shalt  }
0x54: {  	_ =	shalt  }
0x55: {  	_ =	shalt  }
0x56: {  	_ =	shalt  }
0x57: {  	_ =	shalt  }
0x58: {  	_ =	shalt  }
0x59: {  	_ =	shalt  }
0x5a: {  	_ =	shalt  }
0x5b: {  	_ =	shalt  }
0x5c: {  	_ =	shalt  }
0x5d: {  	_ =	shalt  }
0x5e: {  	_ =	shalt  }
0x5f: {  	_ =	shalt  }
0x60: {  	_ =	shalt  }
0x61: {  	_ =	shalt  }
0x62: {  	_ =	shalt  }
0x63: {  	_ =	shalt  }
0x64: {  	_ =	shalt  }
0x65: {  	_ =	shalt  }
0x66: {  	_ =	shalt  }
0x67: {  	_ =	shalt  }
0x68: {  	_ =	shalt  }
0x69: {  	_ =	shalt  }
0x6a: {  	_ =	shalt  }
0x6b: {  	_ =	shalt  }
0x6c: {  	_ =	shalt  }
0x6d: {  	_ =	shalt  }
0x6e: {  	_ =	shalt  }
0x6f: {  	_ =	shalt  }
0x70: {  	_ =	shalt  }
0x71: {  	_ =	shalt  }
0x72: {  	_ =	shalt  }
0x73: {  	_ =	shalt  }
0x74: {  	_ =	shalt  }
0x75: {  	_ =	shalt  }
0x76: {  	_ =	shalt  }
0x77: {  	_ =	shalt  }
0x78: {  	_ =	shalt  }
0x79: {  	_ =	shalt  }
0x7a: {  	_ =	shalt  }
0x7b: {  	_ =	shalt  }
0x7c: {  	_ =	shalt  }
0x7d: {  	_ =	shalt  }
0x7e: {  	_ =	shalt  }
0x7f: {  	_ =	shalt  }
0x80: {  	_ =	shalt  }
0x81: {  	_ =	shalt  }
0x82: {  	_ =	shalt  }
0x83: {  	_ =	shalt  }
0x84: {  	_ =	shalt  }
0x85: {  	_ =	shalt  }
0x86: {  	_ =	shalt  }
0x87: {  	_ =	shalt  }
.Lfunc_end0:
.L_simem_size_0:
called_computation.3_lowered:
.L_overlay_start_0:
0x88: {  	s2 =	sld [smem:$0x3FD9]  }
0x89: {  	s3 =	sld [smem:$0x3FFE];
	_ =	sdelay $0x1  }
0x8a: {  	s1 =	srdreg.scid  }
0x8b: {  	s0 =	sand.u32 $0x1, s1  }
0x8c: {  	s15 =	sshll.u32 s0, $0xA;
	s2 =	sadd.s32 s3, s2  }
0x8d: {  	s2 =	sadd.s32 s2, s15  }
0x8e: {  	[smem:$0x3FC5] =	sst s2  }
0x8f: {  	_ = 	snop  }
0x90: {  	s2 =	sld [smem:$0x3FD0];
	_ =	sdelay $0x2  }
0x91: {  	s16 =	simm.s32 $0xB;
	s4 =	simm.s32 $0x10  }
0x92: {  	[smem:s4], [sflag:s16] =	dma.local [hbm:s2], $0x1  }
0x93: {  	_ =	swait.eq [sflag:s16], $0x1  }
0x94: {  	[sflag:s16] =	ssyncset.done $0x0  }
0x95: {  	[sflag:s16] =	ssyncadd.s32 $0xFFFFFFFF  }
0x96: {  	s17 =	sld [smem:$0x11];
	(tm) =	ssettm $0x1  }
0x97: {  	s18 =	sld [smem:$0x3FFB];
	_ =	sdelay $0x3  }
0x98: {  	_ =	strace s18  }
0x99: {  	s2 =	sld [smem:$0x3FFC];
	_ =	sdelay $0x3  }
0x9a: {  	_ =	strace s2  }
0x9b: {  	s2 =	sld [smem:$0x3FFD];
	_ =	sdelay $0x3  }
0x9c: {  	_ =	strace s2  }
0x9d: {  	_ =	strace $0x8FFFFFFF  }
0x9e: {  	s19 =	sld [smem:$0x3FDB];
	_ =	sdelay $0x1  }
0x9f: {  	s20 =	simm.s32 $_scs_section_size  }
0xa0: {  	s5 =	simm.s32 $_size__tile_overlayer_lowered;
	s6 =	simm.s32 $_tile_overlayer_lowered  }
0xa1: {  	s7 =	simm.s32 $0x1BFF;
	s21 =	sshll.u32 s6, $0x1;
	s4 =	sadd.s32 s20, s19  }
0xa2: {  	s22 =	simm.s32 $0x0;
	s5 =	sshll.u32 s5, $0x1;
	s6 =	sadd.s32 s21, s4  }
0xa3: {  	[timem:s22], [sflag:s7] =	dma.local [hbm:s6], s5  }
0xa4: {  	_ =	swait.ge [sflag:s7], s5  }
0xa5: {  	s5 =	ssub.s32 $0x0, s5;
	[sflag:s7] =	ssyncset.done $0x0  }
0xa6: {  	[sflag:s7] =	ssyncadd.s32 s5;
	_ =	sdelay $0x1  }
0xa7: {  	s23 =	simm.s32 $0x1B8B  }
0xa8: {  	_ =	swait.ge [sflag:s23], $0x1  }
0xa9: {  	[sflag:s23] =	ssyncset.done $0x0  }
0xaa: {  	[sflag:s23] =	ssyncadd.s32 $0xFFFFFFFF  }
0xab: {  	s5 =	sld [smem:$0x0]  }
0xac: {  	s6 =	sand.u32 $0xFFFFFFFE, s1  }
0xad: {  	p0 =	sne.s32 s1, s6  }
0xae: {  	s6 =	sshll.u32 @p0 s6, $0xE  }
0xaf: {  	s6 =	sadd.s32 @p0 $0x11B8D, s6;
	s7 =	sshll.u32 @p0 s5, $0x11  }
0xb0: {  	s6 =	sor.u32 @p0 s7, s6  }
0xb1: {  	[sflag:s6] =	ssyncadd.remote.s32 @p0 $0x1;
	_ =	sdelay $0x1  }
0xb2: {  	s6 =	simm.s32 @p0 $0x1B8D  }
0xb3: {  	_ =	swait.eq @p0 [sflag:s6], $0x1  }
0xb4: {  	[sflag:s6] =	ssyncadd.s32 @p0 $0xFFFFFFFF  }
0xb5: {  	s7 =	sshll.u32 @!p0 s1, $0xE  }
0xb6: {  	s7 =	sor.u32 @!p0 $0x4000, s7;
	s6 =	simm.s32 @!p0 $0x1B8D  }
0xb7: {  	s5 =	sshll.u32 @!p0 s5, $0x11;
	s7 =	sadd.s32 @!p0 $0x11B8D, s7;
	_ =	swait.eq @!p0 [sflag:s6], $0x1  }
0xb8: {  	s5 =	sor.u32 @!p0 s5, s7;
	[sflag:s6] =	ssyncadd.s32 @!p0 $0xFFFFFFFF  }
0xb9: {  	s25 =	simm.s32 $0x1B8E;
	s24 =	sld [smem:$0x3FFE];
	[sflag:s5] =	ssyncadd.remote.s32 @!p0 $0x1  }
0xba: {  	s26 =	simm.s32 $execute0_lowered;
	[smem:$0x3FD2] =	sst s25  }
0xbb: {  	s6 =	sshll.u32 s26, $0x1;
	_ =	strace $0x80000049;
	[dreg:$0x1] =	wrdreg $0xFFFFFFFF  }
0xbc: {  	s28 =	simm.s32 $_size_execute0_lowered;
	s4 =	sadd.s32 s4, s6;
	[dreg:$0x0] =	wrdreg $0x0  }
0xbd: {  	s6 =	sshll.u32 s28, $0x1;
	[dreg:$0x2] =	wrdreg s4  }
0xbe: {  	[dreg:$0x3] =	wrdreg s6  }
0xbf: {  	[dreg:$0x4] =	wrdreg $0xC0  }
0xc0: {  	_ =	task [dreg:s22], $0x5FFFF  }
0xc1: {  	[dreg:$0x1] =	wrdreg $0xFFFFFFFF  }
0xc2: {  	[dreg:$0x0] =	wrdreg $0x60  }
0xc3: {  	[dreg:$0x2] =	wrdreg s24  }
0xc4: {  	[dreg:$0x3] =	wrdreg s17  }
0xc5: {  	[dreg:$0x4] =	wrdreg $0xA  }
0xc6: {  	_ =	task.clear_ibuf [dreg:s22], $0x5FFFF;
	_ =	strace $0x90000049  }
0xc7: {  	s29 =	simm.s32 $0xA;
	_ =	strace $0x8000004B  }
0xc8: {  	_ =	swait.ge [sflag:s29], $0x1  }
0xc9: {  	[sflag:s29] =	ssyncadd.s32 $0xFFFFFFFF  }
0xca: {  	_ =	strace $0x9000004B  }
0xcb: {  	_ =	sfence  }
0xcc: {  	s30 =	sld [smem:$0x0];
	_ =	sdelay $0x2  }
0xcd: {  	s31 =	sshll.u32 s1, $0xD;
	s1 =	sshrl.u32 s1, $0x2  }
0xce: {  	s4 =	sand.u32 $0x4000, s31;
	s1 =	sadd.s32 s1, s30  }
0xcf: {  	s0 =	sor.u32 s4, s0;
	s1 =	sshll.u32 s1, $0x11  }
0xd0: {  	s0 =	sor.u32 s1, s0  }
0xd1: {  	s0 =	sadd.s32 $0x8F2B, s0  }
0xd2: {  	[sflag:s0] =	ssyncadd.remote.s32 $0x1  }
0xd3: {  	_ =	sfence.sel $0xFFFF  }
0xd4: {  	[dreg:$0x0] =	wrdreg $0xFFFFFFFF;
	(pc) =	sbr.abs _section_cstart, $3  }
0xd5: {  	[dreg:$0x1] =	wrdreg $0xFFFFFFFF  }
0xd6: {  	_ =	task.clear_ibuf [dreg:s22], $0x2FFFF;
	_ =	strace $0x9FFFFFFF  }
0xd7: {  	(tm) =	ssettm $0x7FFFFFFF  }
tec
execute0_lowered:
.L_overlay_start_1:
0x0: {  	(tag) =	ssettag $0x1  }
0x1: {  	s1 =	srdreg.scid  }
0x2: {  	s0 =	stileid.u32;
	s4 =	rddreg [dreg:$0x0]  }
0x3: {  	s2 =	rddreg [dreg:$0x1];
	s3 =	simm.s32 $0x0;
	s14 =	simm.s32 $0xA400  }
0x4: {  	s15 =	simm.s32 $0x1;
	s16 =	simm.s32 $0x2;
	s10 =	smul.u32 $0xC800, s0  }
0x5: {  	s17 =	simm.s32 $0x3;
	s6 =	sand.u32 $0x1, s1;
	s28 =	smul.u32 $0x190000, s0  }
0x6: {  	s18 =	simm.s32 $0x4;
	s24 =	sshll.u32 s0, $0x1;
	s12 =	smul.u32 $0x6400, s6  }
0x7: {  	s1 =	rddreg [dreg:$0x2];
	s5 =	sor.u32 s6, s24;
	s13 =	smul.u32 $0xC8000, s6  }
0x8: {  	s19 =	simm.s32 $0x0;
	[smem:$0x7FF] =	sst s3;
	s7 =	smul.u32 $0x6400, s5  }
0x9: {  	_ =	strace $0x8000004A;
	s26 =	ssub.s32 $0x2, s6;
	s8 =	smul.u32 $0xC8000, s5  }
0xa: {  	s9 =	smul.u32 $0x19000, s5;
	s11 =	sshrl.u32 s26, $0x1;
	s10 =	sadd.s32 s12, s10  }
0xb: {  	s30 =	sadd.s32 s13, s28;
	s12 =	simm.s32 $0x200;
	s13 =	simm.s32 $0x6400  }
0xc: {  	s7 =	sshrl.u32 s7, $0x3;
	s8 =	sshrl.u32 s8, $0x3;
	s29 =	sshll.u32 s10, $0x2  }
0xd: {  	s9 =	sadd.s32 s9, s2;
	s25 =	sadd.s32 s7, s4;
	s4 =	sadd.s32 $0x132CE00, s4  }
0xe: {  	s7 =	ssub.s32 s26, s11;
	s31 =	sadd.s32 s2, s29;
	s11 =	simm.s32 $0x5  }
0xf: {  	s5 =	sadd.s32 $0x1000, s25;
	s6 =	smax.u32 s7, $0x1;
	s7 =	sadd.s32 s2, s8  }
0x10: {  	s8 =	sadd.s32 $0x800, s9;
	s9 =	sadd.s32 $0x8000, s30;
	s10 =	sadd.s32 $0x1800, s31  }
.LBB2_1:
0x11: {  	[tilespmem:s3], [sflag:$0x5] =	stream.linear.gather [hbm4b:s5+s3], $0x6400, $0x38;
	[tilespmem:$0xE400] =	vst v63  }
0x12: {  	_ =	swait.ge [sflag:s11], $0x6400  }
0x13: {  	[sflag:s11] =	ssyncset.done $0x0  }
0x14: {  	[sflag:s11] =	ssyncadd.s32 $0xFFFF9C00  }
0x15: {  	[tilespmem:s13], [sflag:$0x1] =	stream.indirect.gather [hbm4b:s4+s12], $0x20, s3, s12, $0xb8;
	[tilespmem:$0xE400] =	vst v63  }
0x16: {  	_ = 	snop  }
0x17: {  	[tilespmem:s14], [sflag:$0x2] =	stream.indirect.gather [hbm4b:s4+s12], $0x20, s12, s12, $0xb8;
	[tilespmem:$0xE400] =	vst v63  }
0x18: {  	_ =	swait.ge [sflag:s15], $0x4000  }
0x19: {  	[sflag:s15] =	ssyncset.done $0x0  }
0x1a: {  	[sflag:s15] =	ssyncadd.s32 $0xFFFFC000  }
0x1b: {  	[hbm4b:s7+s3] =	stream.linear.scatter [tilespmem:s13], [sflag:$0x3], $0x4000, $0x38;
	[tilespmem:$0xE400] =	vst v63  }
0x1c: {  	_ =	swait.ge [sflag:s16], $0x4000  }
0x1d: {  	[sflag:s16] =	ssyncset.done $0x0  }
0x1e: {  	[sflag:s16] =	ssyncadd.s32 $0xFFFFC000  }
0x1f: {  	[hbm4b:s8+s3] =	stream.linear.scatter [tilespmem:s14], [sflag:$0x4], $0x4000, $0x38;
	[tilespmem:$0xE400] =	vst v63  }
0x20: {  	_ =	swait.ge [sflag:s17], $0x4000  }
0x21: {  	[sflag:s17] =	ssyncset.done $0x0  }
0x22: {  	s20 =	simm.s32 $0x400;
	[sflag:s17] =	ssyncadd.s32 $0xFFFFC000  }
0x23: {  	[tilespmem:s13], [sflag:$0x1] =	stream.indirect.gather [hbm4b:s4+s12], $0x20, s20, s12, $0xb8;
	[tilespmem:$0xE400] =	vst v63  }
0x24: {  	_ =	swait.ge [sflag:s18], $0x4000  }
0x25: {  	[sflag:s18] =	ssyncset.done $0x0  }
0x26: {  	s30 =	simm.s32 $0x600;
	[sflag:s18] =	ssyncadd.s32 $0xFFFFC000  }
0x27: {  	[tilespmem:s14], [sflag:$0x2] =	stream.indirect.gather [hbm4b:s4+s12], $0x20, s30, s12, $0xb8;
	[tilespmem:$0xE400] =	vst v63  }
0x28: {  	_ =	swait.ge [sflag:s15], $0x4000  }
0x29: {  	s31 =	sshrl.u32 s9, $0x3;
	[sflag:s15] =	ssyncset.done $0x0  }
0x2a: {  	s20 =	sadd.s32 s2, s31;
	[sflag:s15] =	ssyncadd.s32 $0xFFFFC000  }
0x2b: {  	[hbm4b:s20+s3] =	stream.linear.scatter [tilespmem:s13], [sflag:$0x3], $0x4000, $0x38;
	[tilespmem:$0xE400] =	vst v63  }
0x2c: {  	_ =	swait.ge [sflag:s16], $0x4000  }
0x2d: {  	s22 =	sadd.s32 $0x0, s10;
	[sflag:s16] =	ssyncset.done $0x0  }
0x2e: {  	s21 =	sadd.s32 $0x8000, s9;
	s20 =	simm.s32 $0x1000;
	[sflag:s16] =	ssyncadd.s32 $0xFFFFC000  }
.LBB2_2:
0x2f: {  	[hbm4b:s22+s3] =	stream.linear.scatter [tilespmem:s14], [sflag:$0x4], $0x4000, $0x38;
	[tilespmem:$0xE400] =	vst v63  }
0x30: {  	s22 =	smov.u32 s20  }
0x31: {  	p0 =	sne.s32 s20, $0x17000;
	s20 =	sadd.s32 $0x1000, s20;
	_ =	swait.ge [sflag:s17], $0x4000  }
0x32: {  	s23 =	sshra.s32 s22, $0x2;
	[sflag:s17] =	ssyncset.done $0x0  }
0x33: {  	s24 =	sadd.s32 $0x400, s23;
	[sflag:s17] =	ssyncadd.s32 $0xFFFFC000  }
0x34: {  	[tilespmem:s13], [sflag:$0x1] =	stream.indirect.gather [hbm4b:s4+s12], $0x20, s24, s12, $0xb8;
	[tilespmem:$0xE400] =	vst v63  }
0x35: {  	_ =	swait.ge [sflag:s18], $0x4000  }
0x36: {  	[sflag:s18] =	ssyncset.done $0x0  }
0x37: {  	s23 =	sadd.s32 $0x600, s23;
	[sflag:s18] =	ssyncadd.s32 $0xFFFFC000  }
0x38: {  	[tilespmem:s14], [sflag:$0x2] =	stream.indirect.gather [hbm4b:s4+s12], $0x20, s23, s12, $0xb8;
	[tilespmem:$0xE400] =	vst v63  }
0x39: {  	_ =	swait.ge [sflag:s15], $0x4000  }
0x3a: {  	s23 =	sshrl.u32 s21, $0x3;
	[sflag:s15] =	ssyncset.done $0x0  }
.Ltmp0:
0x3b: {  	s23 =	sadd.s32 s2, s23;
	[sflag:s15] =	ssyncadd.s32 $0xFFFFC000;
	(pc) =	sbr.rel @p0 .LBB2_2-.Ltmp0, $4  }
0x3c: {  	[hbm4b:s23+s3] =	stream.linear.scatter [tilespmem:s13], [sflag:$0x3], $0x4000, $0x38;
	[tilespmem:$0xE400] =	vst v63  }
0x3d: {  	_ =	swait.ge [sflag:s16], $0x4000  }
0x3e: {  	[sflag:s16] =	ssyncset.done $0x0  }
0x3f: {  	s22 =	sadd.s32 s22, s10;
	s21 =	sadd.s32 $0x8000, s21;
	[sflag:s16] =	ssyncadd.s32 $0xFFFFC000  }
0x40: {  	[hbm4b:s22+s3] =	stream.linear.scatter [tilespmem:s14], [sflag:$0x4], $0x4000, $0x38;
	[tilespmem:$0xE400] =	vst v63  }
0x41: {  	s19 =	sadd.s32 $0x1, s19  }
0x42: {  	_ =	swait.ge [sflag:s17], $0x4000;
	p0 =	sne.s32 s19, s6  }
.Ltmp1:
0x43: {  	[sflag:s17] =	ssyncset.done $0x0;
	(pc) =	sbr.rel @p0 .LBB2_1-.Ltmp1, $4  }
0x44: {  	[sflag:s17] =	ssyncadd.s32 $0xFFFFC000  }
0x45: {  	_ =	swait.ge [sflag:s18], $0x4000  }
0x46: {  	[sflag:s18] =	ssyncset.done $0x0  }
0x47: {  	[sflag:s18] =	ssyncadd.s32 $0xFFFFC000  }
0x48: {  	_ =	sfence.sel $0x180000  }
0x49: {  	[bflag:$0x0] =	sbarrier.arrive $0xFFFF  }
0x4a: {  	p0 =	sne.s32 s0, $0x0;
	_ =	strace $0x9000004A  }
0x4b: {  	s0 =	sadd.s32 @!p0 $0x100000, s1;
	[bflag:$0x2] =	sbarrier.arrive $0xFFFF  }
0x4c: {  	[sflag:s0] =	ssyncadd.tile.s32 @!p0 $0x1;
	_ =	shalt  }
.Lfunc_end2:
_tile_overlayer_lowered:
.L_overlay_start_2:
0x4d: {  	(tag) =	ssettag $0x2  }
0x4e: {  	s0 =	rddreg [dreg:$0x0];
	s2 =	stileid.u32  }
0x4f: {  	s1 =	rddreg [dreg:$0x1];
	p0 =	sne.s32 s2, $0x0  }
0x50: {  	s3 =	rddreg [dreg:$0x2];
	[bflag:$0x3] =	sbarrier.arrive $0xFFFF;
	s2 =	simm.s32 @!p0 $0x1C05  }
0x51: {  	[timem:s3], [sflag:s2] =	dma.local @!p0 [hbm:s0], s1  }
0x52: {  	s0 =	simm.s32 @!p0 $0x5  }
0x53: {  	_ =	swait.ge @!p0 [sflag:s0], s1  }
0x54: {  	s1 =	ssub.s32 @!p0 $0x0, s1;
	[sflag:s0] =	ssyncset.done @!p0 $0x0  }
0x55: {  	[sflag:s0] =	ssyncadd.s32 @!p0 s1  }
0x56: {  	[bflag:$0x3] =	sbarrier.arrive $0xFFFF  }
0x57: {  	_ =	shalt  }

// kernel: sparse-core-data-format-call.1.cloned.1.call-start
scs
called_computation.1_lowered:
.L_overlay_start_0:
0x0: {  	s2 =	sld [smem:$0x3FD9]  }
0x1: {  	s3 =	sld [smem:$0x3FFE];
	_ =	sdelay $0x1  }
0x2: {  	s1 =	srdreg.scid  }
0x3: {  	s0 =	sand.u32 $0x1, s1  }
0x4: {  	s16 =	sshll.u32 s0, $0xA;
	s2 =	sadd.s32 s3, s2  }
0x5: {  	s2 =	sadd.s32 s2, s16  }
0x6: {  	[smem:$0x3FC5] =	sst s2  }
0x7: {  	_ = 	snop  }
0x8: {  	s2 =	sld [smem:$0x3FD0];
	_ =	sdelay $0x2  }
0x9: {  	s17 =	simm.s32 $0xB;
	s4 =	simm.s32 $0x10  }
0xa: {  	[smem:s4], [sflag:s17] =	dma.local [hbm:s2], $0x1  }
0xb: {  	_ =	swait.eq [sflag:s17], $0x1  }
0xc: {  	[sflag:s17] =	ssyncset.done $0x0  }
0xd: {  	[sflag:s17] =	ssyncadd.s32 $0xFFFFFFFF  }
0xe: {  	s18 =	sld [smem:$0x10];
	(tm) =	ssettm $0x1  }
0xf: {  	s19 =	sld [smem:$0x3FFB];
	_ =	sdelay $0x3  }
0x10: {  	_ =	strace s19  }
0x11: {  	s2 =	sld [smem:$0x3FFC];
	_ =	sdelay $0x3  }
0x12: {  	_ =	strace s2  }
0x13: {  	s2 =	sld [smem:$0x3FFD];
	_ =	sdelay $0x3  }
0x14: {  	_ =	strace s2  }
0x15: {  	_ =	strace $0x8FFFFFFF  }
0x16: {  	s20 =	sld [smem:$0x3FDB];
	_ =	sdelay $0x1  }
0x17: {  	s21 =	simm.s32 $_scs_section_size  }
0x18: {  	s5 =	simm.s32 $_size__tile_overlayer_lowered;
	s6 =	simm.s32 $_tile_overlayer_lowered  }
0x19: {  	s7 =	simm.s32 $0x1BFF;
	s22 =	sshll.u32 s6, $0x1;
	s4 =	sadd.s32 s21, s20  }
0x1a: {  	s23 =	simm.s32 $0x0;
	s5 =	sshll.u32 s5, $0x1;
	s6 =	sadd.s32 s22, s4  }
0x1b: {  	[timem:s23], [sflag:s7] =	dma.local [hbm:s6], s5  }
0x1c: {  	_ =	swait.ge [sflag:s7], s5  }
0x1d: {  	s5 =	ssub.s32 $0x0, s5;
	[sflag:s7] =	ssyncset.done $0x0  }
0x1e: {  	[sflag:s7] =	ssyncadd.s32 s5;
	_ =	sdelay $0x1  }
0x1f: {  	s24 =	simm.s32 $0x1B8B  }
0x20: {  	_ =	swait.ge [sflag:s24], $0x1  }
0x21: {  	[sflag:s24] =	ssyncset.done $0x0  }
0x22: {  	[sflag:s24] =	ssyncadd.s32 $0xFFFFFFFF  }
0x23: {  	s5 =	sld [smem:$0x0]  }
0x24: {  	s6 =	sand.u32 $0xFFFFFFFE, s1  }
0x25: {  	p0 =	sne.s32 s1, s6  }
0x26: {  	s6 =	sshll.u32 @p0 s6, $0xE  }
0x27: {  	s6 =	sadd.s32 @p0 $0x11B8D, s6;
	s7 =	sshll.u32 @p0 s5, $0x11  }
0x28: {  	s6 =	sor.u32 @p0 s7, s6  }
0x29: {  	[sflag:s6] =	ssyncadd.remote.s32 @p0 $0x1;
	_ =	sdelay $0x1  }
0x2a: {  	s6 =	simm.s32 @p0 $0x1B8D  }
0x2b: {  	_ =	swait.eq @p0 [sflag:s6], $0x1  }
0x2c: {  	[sflag:s6] =	ssyncadd.s32 @p0 $0xFFFFFFFF  }
0x2d: {  	s7 =	sshll.u32 @!p0 s1, $0xE  }
0x2e: {  	s7 =	sor.u32 @!p0 $0x4000, s7;
	s6 =	simm.s32 @!p0 $0x1B8D  }
0x2f: {  	s5 =	sshll.u32 @!p0 s5, $0x11;
	s7 =	sadd.s32 @!p0 $0x11B8D, s7;
	_ =	swait.eq @!p0 [sflag:s6], $0x1  }
0x30: {  	s5 =	sor.u32 @!p0 s5, s7;
	[sflag:s6] =	ssyncadd.s32 @!p0 $0xFFFFFFFF  }
0x31: {  	s26 =	simm.s32 $0x1B8E;
	s25 =	sld [smem:$0x3FFE];
	[sflag:s5] =	ssyncadd.remote.s32 @!p0 $0x1  }
0x32: {  	s27 =	simm.s32 $execute0_lowered;
	[smem:$0x3FD2] =	sst s26  }
0x33: {  	s6 =	sshll.u32 s27, $0x1;
	_ =	strace $0x8000004C;
	[dreg:$0x1] =	wrdreg $0xFFFFFFFF  }
0x34: {  	s28 =	simm.s32 $_size_execute0_lowered;
	s4 =	sadd.s32 s4, s6;
	[dreg:$0x0] =	wrdreg $0x0  }
0x35: {  	s6 =	sshll.u32 s28, $0x1;
	[dreg:$0x2] =	wrdreg s4  }
0x36: {  	[dreg:$0x3] =	wrdreg s6  }
0x37: {  	[dreg:$0x4] =	wrdreg $0xC0  }
0x38: {  	_ =	task [dreg:s23], $0x5FFFF  }
0x39: {  	[dreg:$0x1] =	wrdreg $0xFFFFFFFF  }
0x3a: {  	[dreg:$0x0] =	wrdreg $0x60  }
0x3b: {  	[dreg:$0x2] =	wrdreg s25  }
0x3c: {  	[dreg:$0x3] =	wrdreg s18  }
0x3d: {  	[dreg:$0x4] =	wrdreg $0x9  }
0x3e: {  	_ =	task.clear_ibuf [dreg:s23], $0x5FFFF;
	_ =	strace $0x9000004C  }
0x3f: {  	s29 =	simm.s32 $0x9;
	_ =	strace $0x8000004E  }
0x40: {  	_ =	swait.ge [sflag:s29], $0x1  }
0x41: {  	[sflag:s29] =	ssyncadd.s32 $0xFFFFFFFF  }
0x42: {  	_ =	strace $0x9000004E  }
0x43: {  	_ =	sfence  }
0x44: {  	s30 =	sld [smem:$0x0];
	_ =	sdelay $0x2  }
0x45: {  	s31 =	sshll.u32 s1, $0xD;
	s1 =	sshrl.u32 s1, $0x2  }
0x46: {  	s4 =	sand.u32 $0x4000, s31;
	s1 =	sadd.s32 s1, s30  }
0x47: {  	s0 =	sor.u32 s4, s0;
	s1 =	sshll.u32 s1, $0x11  }
0x48: {  	s0 =	sor.u32 s1, s0  }
0x49: {  	s0 =	sadd.s32 $0x8F2B, s0  }
0x4a: {  	[sflag:s0] =	ssyncadd.remote.s32 $0x1  }
0x4b: {  	_ =	sfence.sel $0xFFFF  }
0x4c: {  	[dreg:$0x0] =	wrdreg $0xFFFFFFFF;
	(pc) =	sbr.abs _section_cstart, $3  }
0x4d: {  	[dreg:$0x1] =	wrdreg $0xFFFFFFFF  }
0x4e: {  	_ =	task.clear_ibuf [dreg:s23], $0x2FFFF;
	_ =	strace $0x9FFFFFFF  }
0x4f: {  	(tm) =	ssettm $0x7FFFFFFF  }
tec
execute0_lowered:
.L_overlay_start_1:
0x0: {  	(tag) =	ssettag $0x1  }
0x1: {  	s0 =	srdreg.scid  }
0x2: {  	s1 =	sshll.u32 s0, $0x4  }
0x3: {  	s0 =	stileid.u32;
	s1 =	sand.u32 $0x10, s1  }
0x4: {  	s1 =	sor.u32 s0, s1  }
0x5: {  	s6 =	rddreg [dreg:$0x0];
	s4 =	simm.s32 $0x1;
	s2 =	sshll.u32 s1, $0x7  }
0x6: {  	s7 =	simm.s32 $0x2;
	s12 =	simm.s32 $0x0;
	s1 =	ssub.s32 $0x1000, s2  }
0x7: {  	s8 =	simm.s32 $0x8000;
	s13 =	simm.s32 $0x0;
	s3 =	sand.u32 $0xF80, s1  }
0x8: {  	s9 =	simm.s32 $0x0;
	s5 =	sshrl.u32 s1, $0xC;
	p0 =	sne.s32 s3, $0x0  }
.Ltmp0:
0x9: {  	s1 =	rddreg [dreg:$0x2];
	s4 =	simm.s32 @!p0 $0x0;
	(pc) =	sbr.rel .LBB1_1-.Ltmp0, $4  }
0xa: {  	s11 =	simm.s32 $0x0;
	s3 =	rddreg [dreg:$0x1];
	s5 =	sadd.s32 s4, s5  }
0xb: {  	_ =	strace $0x8000004D;
	s4 =	simm.s32 $0x1;
	s5 =	smul.u32 $0xC8, s5  }
0xc: {  	s6 =	sadd.s32 $0x1A000, s6;
	s10 =	smov.u32 s2;
	[sflag:s4] =	ssyncpa.u1 $0x0  }
0xd: {  	p0 =	por $0x0, $0x0;
	[sflag:s7] =	ssyncpa.u1 $0x0;
	s7 =	sor.u32 $0x1, s5  }
.LBB1_4:
0xe: {  	s16 =	sshll.u32 s13, $0x3;
	s17 =	sand.u32 $0x78, s13  }
0xf: {  	s30 =	sand.u32 $0x3E00, s13;
	s12 =	sshll.u32 s12, $0xE;
	s16 =	sand.u32 $0xC00, s16  }
0x10: {  	s31 =	sand.u32 $0x7, s13;
	s16 =	sor.u32 s17, s16;
	s17 =	sadd.s32 s3, s30  }
0x11: {  	s13 =	sshll.u32 s31, $0x12;
	s16 =	sshrl.u32 s16, $0x3;
	s12 =	sadd.s32 s12, s17  }
0x12: {  	[tilespmem:s15+$0x0 ss:$0x81] =	vst.msk $0xffff, v0;
	s13 =	sor.u32 $0x400, s13;
	s12 =	sadd.s32 s16, s12  }
0x13: {  	[hbm4b:s12+s13] =	stream.strided.scatter [tilespmem:s14], [sflag:$0x2], $0x1000, s8, s13, $0x20;
	[tilespmem:$0x4040] =	vst v63  }
.LBB1_5:
0x14: {  	s14 =	sadd.s32 $0x1, s9  }
0x15: {  	s12 =	sadd.s32 $0x1000, s10;
	s16 =	smov.u32 s10;
	p2 =	sgt.s32 s14, $0xC7  }
0x16: {  	s16 =	smov.u32 @p2 s12  }
0x17: {  	s14 =	simm.s32 @p2 $0x0;
	p2 =	sgt.s32 s16, $0xFFF  }
0x18: {  	s16 =	smov.u32 @p2 s2;
	p2 =	sne.s32 s11, s7  }
.Ltmp1:
0x19: {  	p1 =	slt.u32 s11, $0x2;
	(pc) =	sbr.rel @!p2 .LBB1_6-.Ltmp1, $4  }
0x1a: {  	s15 =	simm.s32 @!p1 $0x2  }
0x1b: {  	s13 =	smov.u32 s10;
	p0 =	por !p0, !p0;
	_ =	swait.ge @!p1 [sflag:s15], $0x1000  }
0x1c: {  	s12 =	smov.u32 s9;
	[sflag:s15] =	ssyncset.done @!p1 $0x0;
	s9 =	smov.u32 s14  }
0x1d: {  	s11 =	sadd.s32 $0x1, s11;
	[sflag:s15] =	ssyncadd.s32 @!p1 $0xFFFFF000;
	s10 =	smov.u32 s16  }
.LBB1_1:
0x1e: {  	p1 =	sge.u32 s11, s5  }
0x1f: {  	s14 =	sand.u32 @!p1 $0x1FFFFFF, s9  }
0x20: {  	s15 =	smulhi.u32 @!p1 $0x147AE15, s14;
	_ =	sdelay $0x1  }
0x21: {  	s15 =	smul.u32 @!p1 $0xC8, s15  }
0x22: {  	s16 =	sxor.u32 @!p1 $0xFFFFFFFF, s11;
	s17 =	smul.u32 @!p1 $0xC80, s10  }
0x23: {  	s31 =	sadd.s32 $0xFFFFFFFF, s11;
	s16 =	sshll.u32 @!p1 s16, $0xC;
	s14 =	ssub.s32 @!p1 s14, s15  }
0x24: {  	s15 =	sand.u32 @!p1 $0x1000, s16;
	s16 =	sadd.s32 @!p1 s6, s17;
	s14 =	sshll.u32 @!p1 s14, $0x4  }
0x25: {  	s17 =	simm.s32 @!p1 $0x6400;
	s14 =	sadd.s32 @!p1 s14, s16;
	s16 =	simm.s32 @!p1 $0x20  }
0x26: {  	[tilespmem:s15], [sflag:$0x1] =	stream.strided.gather @!p1 [hbm4b:s14+s16], $0x1000, s17, s16, $0x38;
	[tilespmem:$0x4040] =	vst v63  }
0x27: {  	p1 =	sge.u32 s31, s5  }
.Ltmp2:
0x28: {  	_ = 	snop;
	(pc) =	sbr.rel @p1 .LBB1_5-.Ltmp2, $1  }
0x29: {  	_ =	sdelay $0x3  }
0x2a: {  	s14 =	simm.s32 $0x1  }
0x2b: {  	_ =	swait.ge [sflag:s4], $0x1000;
	s14 =	simm.s32 @!p0 $0x0  }
0x2c: {  	[sflag:s4] =	ssyncset.done $0x0;
	s15 =	sshll.u32 s14, $0xC  }
0x2d: {  	[sflag:s4] =	ssyncadd.s32 $0xFFFFF000;
	s18 =	sor.u32 $0x10, s15  }
0x2e: {  	s14 =	smul.u32 $0x4080, s14;
	v1 =	vld [tilespmem:s18+$0x0]  }
0x2f: {  	s30 =	sand.u32 $0x1, s11;
	v0 =	vld [tilespmem:s18+$0xFFFFFFF0]  }
0x30: {  	s15 =	smul.u32 $0x4080, s30;
	s14 =	sshrl.u32 s14, $0x2  }
0x31: {  	s16 =	sor.u32 $0x2000, s14  }
0x32: {  	s31 =	sshrl.u32 s15, $0x2;
	s15 =	sadd.s32 $0x0, s16  }
0x33: {  	s17 =	simm.s32 $0x4;
	s18 =	sadd.s32 $0x20, s18;
	s14 =	sor.u32 $0x2000, s31;
	[tilespmem:s15+$0x810 ss:$0x81] =	vst.msk $0xffff, v1  }
.LBB1_3:
0x34: {  	v1 =	vld [tilespmem:s18+$0x0];
	p1 =	sne.s32 s17, $0x1FC;
	[tilespmem:s15+$0x0 ss:$0x81] =	vst.msk $0xffff, v0;
	s15 =	smov.u32 s17;
	s17 =	sadd.s32 $0x4, s17  }
.Ltmp3:
0x35: {  	v0 =	vld [tilespmem:s18+$0xFFFFFFF0];
	(pc) =	sbr.rel @p1 .LBB1_3-.Ltmp3, $4  }
0x36: {  	_ = 	snop  }
0x37: {  	s15 =	sshra.s32 s15, $0x2  }
0x38: {  	s15 =	sadd.s32 s15, s16  }
0x39: {  	s18 =	sadd.s32 $0x20, s18;
	[tilespmem:s15+$0x810 ss:$0x81] =	vst.msk $0xffff, v1  }
.Ltmp4:
0x3a: {  	_ = 	snop;
	(pc) =	sbr.rel .LBB1_4-.Ltmp4, $1  }
0x3b: {  	_ =	sdelay $0x3  }
.LBB1_6:
0x3c: {  	_ =	sfence.sel $0x180000  }
0x3d: {  	s2 =	simm.s32 $0x1;
	[bflag:$0x0] =	sbarrier.arrive $0xFFFF  }
0x3e: {  	s31 =	simm.s32 $0x2;
	[sflag:s2] =	ssyncpa.u1 $0x1  }
0x3f: {  	[sflag:s31] =	ssyncpa.u1 $0x1  }
0x40: {  	p0 =	sne.s32 s0, $0x0;
	_ =	strace $0x9000004D  }
0x41: {  	s0 =	sadd.s32 @!p0 $0x100000, s1;
	[bflag:$0x2] =	sbarrier.arrive $0xFFFF  }
0x42: {  	[sflag:s0] =	ssyncadd.tile.s32 @!p0 $0x1;
	_ =	shalt  }
.Lfunc_end1:
_tile_overlayer_lowered:
.L_overlay_start_2:
0x43: {  	(tag) =	ssettag $0x2  }
0x44: {  	s0 =	rddreg [dreg:$0x0];
	s2 =	stileid.u32  }
0x45: {  	s1 =	rddreg [dreg:$0x1];
	p0 =	sne.s32 s2, $0x0  }
0x46: {  	s3 =	rddreg [dreg:$0x2];
	[bflag:$0x3] =	sbarrier.arrive $0xFFFF;
	s2 =	simm.s32 @!p0 $0x1C01  }
0x47: {  	[timem:s3], [sflag:s2] =	dma.local @!p0 [hbm:s0], s1  }
0x48: {  	s0 =	simm.s32 @!p0 $0x1  }
0x49: {  	_ =	swait.ge @!p0 [sflag:s0], s1  }
0x4a: {  	s1 =	ssub.s32 @!p0 $0x0, s1;
	[sflag:s0] =	ssyncset.done @!p0 $0x0  }
0x4b: {  	[sflag:s0] =	ssyncadd.s32 @!p0 s1  }
0x4c: {  	[bflag:$0x3] =	sbarrier.arrive $0xFFFF  }
0x4d: {  	_ =	shalt  }

// kernel: sparse-core-data-format-call.cloned.1.call-start
scs
called_computation_lowered:
.L_overlay_start_0:
0x0: {  	s2 =	sld [smem:$0x3FD9]  }
0x1: {  	s3 =	sld [smem:$0x3FFE];
	_ =	sdelay $0x1  }
0x2: {  	s1 =	srdreg.scid  }
0x3: {  	s0 =	sand.u32 $0x1, s1  }
0x4: {  	s16 =	sshll.u32 s0, $0xA;
	s2 =	sadd.s32 s3, s2  }
0x5: {  	s2 =	sadd.s32 s2, s16  }
0x6: {  	[smem:$0x3FC5] =	sst s2  }
0x7: {  	_ = 	snop  }
0x8: {  	s2 =	sld [smem:$0x3FD0];
	_ =	sdelay $0x2  }
0x9: {  	s17 =	simm.s32 $0xB;
	s4 =	simm.s32 $0x10  }
0xa: {  	[smem:s4], [sflag:s17] =	dma.local [hbm:s2], $0x1  }
0xb: {  	_ =	swait.eq [sflag:s17], $0x1  }
0xc: {  	[sflag:s17] =	ssyncset.done $0x0  }
0xd: {  	[sflag:s17] =	ssyncadd.s32 $0xFFFFFFFF  }
0xe: {  	s18 =	sld [smem:$0x11];
	(tm) =	ssettm $0x1  }
0xf: {  	s19 =	sld [smem:$0x3FFB];
	_ =	sdelay $0x3  }
0x10: {  	_ =	strace s19  }
0x11: {  	s2 =	sld [smem:$0x3FFC];
	_ =	sdelay $0x3  }
0x12: {  	_ =	strace s2  }
0x13: {  	s2 =	sld [smem:$0x3FFD];
	_ =	sdelay $0x3  }
0x14: {  	_ =	strace s2  }
0x15: {  	_ =	strace $0x8FFFFFFF  }
0x16: {  	s20 =	sld [smem:$0x3FDB];
	_ =	sdelay $0x1  }
0x17: {  	s21 =	simm.s32 $_scs_section_size  }
0x18: {  	s5 =	simm.s32 $_size__tile_overlayer_lowered;
	s6 =	simm.s32 $_tile_overlayer_lowered  }
0x19: {  	s7 =	simm.s32 $0x1BFF;
	s22 =	sshll.u32 s6, $0x1;
	s4 =	sadd.s32 s21, s20  }
0x1a: {  	s23 =	simm.s32 $0x0;
	s5 =	sshll.u32 s5, $0x1;
	s6 =	sadd.s32 s22, s4  }
0x1b: {  	[timem:s23], [sflag:s7] =	dma.local [hbm:s6], s5  }
0x1c: {  	_ =	swait.ge [sflag:s7], s5  }
0x1d: {  	s5 =	ssub.s32 $0x0, s5;
	[sflag:s7] =	ssyncset.done $0x0  }
0x1e: {  	[sflag:s7] =	ssyncadd.s32 s5;
	_ =	sdelay $0x1  }
0x1f: {  	s24 =	simm.s32 $0x1B8B  }
0x20: {  	_ =	swait.ge [sflag:s24], $0x1  }
0x21: {  	[sflag:s24] =	ssyncset.done $0x0  }
0x22: {  	[sflag:s24] =	ssyncadd.s32 $0xFFFFFFFF  }
0x23: {  	s5 =	sld [smem:$0x0]  }
0x24: {  	s6 =	sand.u32 $0xFFFFFFFE, s1  }
0x25: {  	p0 =	sne.s32 s1, s6  }
0x26: {  	s6 =	sshll.u32 @p0 s6, $0xE  }
0x27: {  	s6 =	sadd.s32 @p0 $0x11B8D, s6;
	s7 =	sshll.u32 @p0 s5, $0x11  }
0x28: {  	s6 =	sor.u32 @p0 s7, s6  }
0x29: {  	[sflag:s6] =	ssyncadd.remote.s32 @p0 $0x1;
	_ =	sdelay $0x1  }
0x2a: {  	s6 =	simm.s32 @p0 $0x1B8D  }
0x2b: {  	_ =	swait.eq @p0 [sflag:s6], $0x1  }
0x2c: {  	[sflag:s6] =	ssyncadd.s32 @p0 $0xFFFFFFFF  }
0x2d: {  	s7 =	sshll.u32 @!p0 s1, $0xE  }
0x2e: {  	s7 =	sor.u32 @!p0 $0x4000, s7;
	s6 =	simm.s32 @!p0 $0x1B8D  }
0x2f: {  	s5 =	sshll.u32 @!p0 s5, $0x11;
	s7 =	sadd.s32 @!p0 $0x11B8D, s7;
	_ =	swait.eq @!p0 [sflag:s6], $0x1  }
0x30: {  	s5 =	sor.u32 @!p0 s5, s7;
	[sflag:s6] =	ssyncadd.s32 @!p0 $0xFFFFFFFF  }
0x31: {  	s26 =	simm.s32 $0x1B8E;
	s25 =	sld [smem:$0x3FFE];
	[sflag:s5] =	ssyncadd.remote.s32 @!p0 $0x1  }
0x32: {  	s27 =	simm.s32 $execute0_lowered;
	[smem:$0x3FD2] =	sst s26  }
0x33: {  	s6 =	sshll.u32 s27, $0x1;
	_ =	strace $0x8000004F;
	[dreg:$0x1] =	wrdreg $0xFFFFFFFF  }
0x34: {  	s28 =	simm.s32 $_size_execute0_lowered;
	s4 =	sadd.s32 s4, s6;
	[dreg:$0x0] =	wrdreg $0x0  }
0x35: {  	s6 =	sshll.u32 s28, $0x1;
	[dreg:$0x2] =	wrdreg s4  }
0x36: {  	[dreg:$0x3] =	wrdreg s6  }
0x37: {  	[dreg:$0x4] =	wrdreg $0xC0  }
0x38: {  	_ =	task [dreg:s23], $0x5FFFF  }
0x39: {  	[dreg:$0x1] =	wrdreg $0xFFFFFFFF  }
0x3a: {  	[dreg:$0x0] =	wrdreg $0x60  }
0x3b: {  	[dreg:$0x2] =	wrdreg s25  }
0x3c: {  	[dreg:$0x3] =	wrdreg s18  }
0x3d: {  	[dreg:$0x4] =	wrdreg $0xA  }
0x3e: {  	_ =	task.clear_ibuf [dreg:s23], $0x5FFFF;
	_ =	strace $0x9000004F  }
0x3f: {  	s29 =	simm.s32 $0xA;
	_ =	strace $0x80000051  }
0x40: {  	_ =	swait.ge [sflag:s29], $0x1  }
0x41: {  	[sflag:s29] =	ssyncadd.s32 $0xFFFFFFFF  }
0x42: {  	_ =	strace $0x90000051  }
0x43: {  	_ =	sfence  }
0x44: {  	s30 =	sld [smem:$0x0];
	_ =	sdelay $0x2  }
0x45: {  	s31 =	sshll.u32 s1, $0xD;
	s1 =	sshrl.u32 s1, $0x2  }
0x46: {  	s4 =	sand.u32 $0x4000, s31;
	s1 =	sadd.s32 s1, s30  }
0x47: {  	s0 =	sor.u32 s4, s0;
	s1 =	sshll.u32 s1, $0x11  }
0x48: {  	s0 =	sor.u32 s1, s0  }
0x49: {  	s0 =	sadd.s32 $0x8F2B, s0  }
0x4a: {  	[sflag:s0] =	ssyncadd.remote.s32 $0x1  }
0x4b: {  	_ =	sfence.sel $0xFFFF  }
0x4c: {  	[dreg:$0x0] =	wrdreg $0xFFFFFFFF;
	(pc) =	sbr.abs _section_cstart, $3  }
0x4d: {  	[dreg:$0x1] =	wrdreg $0xFFFFFFFF  }
0x4e: {  	_ =	task.clear_ibuf [dreg:s23], $0x2FFFF;
	_ =	strace $0x9FFFFFFF  }
0x4f: {  	(tm) =	ssettm $0x7FFFFFFF  }
tec
execute0_lowered:
.L_overlay_start_1:
0x0: {  	(tag) =	ssettag $0x1  }
0x1: {  	s0 =	srdreg.scid  }
0x2: {  	s1 =	sshll.u32 s0, $0x4  }
0x3: {  	s0 =	stileid.u32;
	s1 =	sand.u32 $0x10, s1  }
0x4: {  	s1 =	sor.u32 s0, s1  }
0x5: {  	s6 =	rddreg [dreg:$0x0];
	s4 =	simm.s32 $0x1;
	s2 =	sshll.u32 s1, $0x7  }
0x6: {  	s7 =	simm.s32 $0x2;
	s12 =	simm.s32 $0x0;
	s1 =	ssub.s32 $0x1000, s2  }
0x7: {  	s8 =	simm.s32 $0x8000;
	s13 =	simm.s32 $0x0;
	s3 =	sand.u32 $0xF80, s1  }
0x8: {  	s9 =	simm.s32 $0x0;
	s5 =	sshrl.u32 s1, $0xC;
	p0 =	sne.s32 s3, $0x0  }
.Ltmp0:
0x9: {  	s1 =	rddreg [dreg:$0x2];
	s4 =	simm.s32 @!p0 $0x0;
	(pc) =	sbr.rel .LBB1_1-.Ltmp0, $4  }
0xa: {  	s11 =	simm.s32 $0x0;
	s3 =	rddreg [dreg:$0x1];
	s5 =	sadd.s32 s4, s5  }
0xb: {  	_ =	strace $0x80000050;
	s4 =	simm.s32 $0x1;
	s5 =	smul.u32 $0xC8, s5  }
0xc: {  	s6 =	sadd.s32 $0xC9A000, s6;
	s10 =	smov.u32 s2;
	[sflag:s4] =	ssyncpa.u1 $0x0  }
0xd: {  	p0 =	por $0x0, $0x0;
	[sflag:s7] =	ssyncpa.u1 $0x0;
	s7 =	sor.u32 $0x1, s5  }
.LBB1_4:
0xe: {  	s16 =	sshll.u32 s13, $0x3;
	s17 =	sand.u32 $0x78, s13  }
0xf: {  	s30 =	sand.u32 $0x3E00, s13;
	s12 =	sshll.u32 s12, $0xE;
	s16 =	sand.u32 $0xC00, s16  }
0x10: {  	s31 =	sand.u32 $0x7, s13;
	s16 =	sor.u32 s17, s16;
	s17 =	sadd.s32 s3, s30  }
0x11: {  	s13 =	sshll.u32 s31, $0x12;
	s16 =	sshrl.u32 s16, $0x3;
	s12 =	sadd.s32 s12, s17  }
0x12: {  	[tilespmem:s15+$0x0 ss:$0x81] =	vst.msk $0xffff, v0;
	s13 =	sor.u32 $0x400, s13;
	s12 =	sadd.s32 s16, s12  }
0x13: {  	[hbm4b:s12+s13] =	stream.strided.scatter [tilespmem:s14], [sflag:$0x2], $0x1000, s8, s13, $0x20;
	[tilespmem:$0x4040] =	vst v63  }
.LBB1_5:
0x14: {  	s14 =	sadd.s32 $0x1, s9  }
0x15: {  	s12 =	sadd.s32 $0x1000, s10;
	s16 =	smov.u32 s10;
	p2 =	sgt.s32 s14, $0xC7  }
0x16: {  	s16 =	smov.u32 @p2 s12  }
0x17: {  	s14 =	simm.s32 @p2 $0x0;
	p2 =	sgt.s32 s16, $0xFFF  }
0x18: {  	s16 =	smov.u32 @p2 s2;
	p2 =	sne.s32 s11, s7  }
.Ltmp1:
0x19: {  	p1 =	slt.u32 s11, $0x2;
	(pc) =	sbr.rel @!p2 .LBB1_6-.Ltmp1, $4  }
0x1a: {  	s15 =	simm.s32 @!p1 $0x2  }
0x1b: {  	s13 =	smov.u32 s10;
	p0 =	por !p0, !p0;
	_ =	swait.ge @!p1 [sflag:s15], $0x1000  }
0x1c: {  	s12 =	smov.u32 s9;
	[sflag:s15] =	ssyncset.done @!p1 $0x0;
	s9 =	smov.u32 s14  }
0x1d: {  	s11 =	sadd.s32 $0x1, s11;
	[sflag:s15] =	ssyncadd.s32 @!p1 $0xFFFFF000;
	s10 =	smov.u32 s16  }
.LBB1_1:
0x1e: {  	p1 =	sge.u32 s11, s5  }
0x1f: {  	s14 =	sand.u32 @!p1 $0x1FFFFFF, s9  }
0x20: {  	s15 =	smulhi.u32 @!p1 $0x147AE15, s14;
	_ =	sdelay $0x1  }
0x21: {  	s15 =	smul.u32 @!p1 $0xC8, s15  }
0x22: {  	s16 =	sxor.u32 @!p1 $0xFFFFFFFF, s11;
	s17 =	smul.u32 @!p1 $0xC80, s10  }
0x23: {  	s31 =	sadd.s32 $0xFFFFFFFF, s11;
	s16 =	sshll.u32 @!p1 s16, $0xC;
	s14 =	ssub.s32 @!p1 s14, s15  }
0x24: {  	s15 =	sand.u32 @!p1 $0x1000, s16;
	s16 =	sadd.s32 @!p1 s6, s17;
	s14 =	sshll.u32 @!p1 s14, $0x4  }
0x25: {  	s17 =	simm.s32 @!p1 $0x6400;
	s14 =	sadd.s32 @!p1 s14, s16;
	s16 =	simm.s32 @!p1 $0x20  }
0x26: {  	[tilespmem:s15], [sflag:$0x1] =	stream.strided.gather @!p1 [hbm4b:s14+s16], $0x1000, s17, s16, $0x38;
	[tilespmem:$0x4040] =	vst v63  }
0x27: {  	p1 =	sge.u32 s31, s5  }
.Ltmp2:
0x28: {  	_ = 	snop;
	(pc) =	sbr.rel @p1 .LBB1_5-.Ltmp2, $1  }
0x29: {  	_ =	sdelay $0x3  }
0x2a: {  	s14 =	simm.s32 $0x1  }
0x2b: {  	_ =	swait.ge [sflag:s4], $0x1000;
	s14 =	simm.s32 @!p0 $0x0  }
0x2c: {  	[sflag:s4] =	ssyncset.done $0x0;
	s15 =	sshll.u32 s14, $0xC  }
0x2d: {  	[sflag:s4] =	ssyncadd.s32 $0xFFFFF000;
	s18 =	sor.u32 $0x10, s15  }
0x2e: {  	s14 =	smul.u32 $0x4080, s14;
	v1 =	vld [tilespmem:s18+$0x0]  }
0x2f: {  	s30 =	sand.u32 $0x1, s11;
	v0 =	vld [tilespmem:s18+$0xFFFFFFF0]  }
0x30: {  	s15 =	smul.u32 $0x4080, s30;
	s14 =	sshrl.u32 s14, $0x2  }
0x31: {  	s16 =	sor.u32 $0x2000, s14  }
0x32: {  	s31 =	sshrl.u32 s15, $0x2;
	s15 =	sadd.s32 $0x0, s16  }
0x33: {  	s17 =	simm.s32 $0x4;
	s18 =	sadd.s32 $0x20, s18;
	s14 =	sor.u32 $0x2000, s31;
	[tilespmem:s15+$0x810 ss:$0x81] =	vst.msk $0xffff, v1  }
.LBB1_3:
0x34: {  	v1 =	vld [tilespmem:s18+$0x0];
	p1 =	sne.s32 s17, $0x1FC;
	[tilespmem:s15+$0x0 ss:$0x81] =	vst.msk $0xffff, v0;
	s15 =	smov.u32 s17;
	s17 =	sadd.s32 $0x4, s17  }
.Ltmp3:
0x35: {  	v0 =	vld [tilespmem:s18+$0xFFFFFFF0];
	(pc) =	sbr.rel @p1 .LBB1_3-.Ltmp3, $4  }
0x36: {  	_ = 	snop  }
0x37: {  	s15 =	sshra.s32 s15, $0x2  }
0x38: {  	s15 =	sadd.s32 s15, s16  }
0x39: {  	s18 =	sadd.s32 $0x20, s18;
	[tilespmem:s15+$0x810 ss:$0x81] =	vst.msk $0xffff, v1  }
.Ltmp4:
0x3a: {  	_ = 	snop;
	(pc) =	sbr.rel .LBB1_4-.Ltmp4, $1  }
0x3b: {  	_ =	sdelay $0x3  }
.LBB1_6:
0x3c: {  	_ =	sfence.sel $0x180000  }
0x3d: {  	s2 =	simm.s32 $0x1;
	[bflag:$0x0] =	sbarrier.arrive $0xFFFF  }
0x3e: {  	s31 =	simm.s32 $0x2;
	[sflag:s2] =	ssyncpa.u1 $0x1  }
0x3f: {  	[sflag:s31] =	ssyncpa.u1 $0x1  }
0x40: {  	p0 =	sne.s32 s0, $0x0;
	_ =	strace $0x90000050  }
0x41: {  	s0 =	sadd.s32 @!p0 $0x100000, s1;
	[bflag:$0x2] =	sbarrier.arrive $0xFFFF  }
0x42: {  	[sflag:s0] =	ssyncadd.tile.s32 @!p0 $0x1;
	_ =	shalt  }
.Lfunc_end1:
_tile_overlayer_lowered:
.L_overlay_start_2:
0x43: {  	(tag) =	ssettag $0x2  }
0x44: {  	s0 =	rddreg [dreg:$0x0];
	s2 =	stileid.u32  }
0x45: {  	s1 =	rddreg [dreg:$0x1];
	p0 =	sne.s32 s2, $0x0  }
0x46: {  	s3 =	rddreg [dreg:$0x2];
	[bflag:$0x3] =	sbarrier.arrive $0xFFFF;
	s2 =	simm.s32 @!p0 $0x1C01  }
0x47: {  	[timem:s3], [sflag:s2] =	dma.local @!p0 [hbm:s0], s1  }
0x48: {  	s0 =	simm.s32 @!p0 $0x1  }
0x49: {  	_ =	swait.ge @!p0 [sflag:s0], s1  }
0x4a: {  	s1 =	ssub.s32 @!p0 $0x0, s1;
	[sflag:s0] =	ssyncset.done @!p0 $0x0  }
0x4b: {  	[sflag:s0] =	ssyncadd.s32 @!p0 s1  }
0x4c: {  	[bflag:$0x3] =	sbarrier.arrive $0xFFFF  }
0x4d: {  	_ =	shalt  }

</sc_bundles>
